<compile_context>
chip_gen: v7x
topology: tpu7x:2x2x1
jax: 0.10.2.dev20260603
libtpu: 0.0.44.dev20260713+nightly
codegen_flags: <defaults>
</compile_context>

<pallas_src>
import functools

import jax
import jax.numpy as jnp
from jax import lax
from jax.experimental import pallas as pl
from jax.experimental.pallas import tpu as pltpu
from jax.experimental.pallas import tpu_sc as plsc

N, C, H, W = 16, 80, 64, 64
HW = H * W
REG_MAX = 16
P = 2048
W_QFL, W_DFL, W_IOU = 1.0, 0.25, 2.0
EPS = 1e-7

NC, NS = 2, 16
NW = NC * NS
PT = P // NW

_f32 = jnp.float32
_i32 = jnp.int32


def _sc_gather(cls80, dist68, pred3, bid, idx):
    mesh = plsc.VectorSubcoreMesh(core_axis_name="c", subcore_axis_name="s")
    out_type = [
        jax.ShapeDtypeStruct((P, C), _f32),
        jax.ShapeDtypeStruct((P, C), _f32),
        jax.ShapeDtypeStruct((P, 68), _f32),
        jax.ShapeDtypeStruct((P, 4, W), _f32),
    ]

    @functools.partial(
        pl.kernel, mesh=mesh, out_type=out_type,
        compiler_params=pltpu.CompilerParams(use_tc_tiling_on_sc=True),
        scratch_types=[
            pltpu.VMEM((144,), _i32),
            pltpu.VMEM((144,), _i32),
            pltpu.VMEM((PT, C), _f32),
            pltpu.VMEM((PT, C), _f32),
            pltpu.VMEM((PT, 68), _f32),
            pltpu.VMEM((PT, 4, W), _f32),
            pltpu.SemaphoreType.DMA,
            pltpu.SemaphoreType.DMA,
            pltpu.SemaphoreType.DMA,
            pltpu.SemaphoreType.DMA,
        ])
    def k(cls_h, dist_h, pred_h, bid_h, idx_h,
          wout_h, lout_h, dout_h, pout_h,
          b_v, x_v, wbuf, lbuf, dbuf, pbuf, sw, sl, sd, sp):
        wid = lax.axis_index("s") * NC + lax.axis_index("c")
        base = wid * PT
        half = (wid >> 1) * 128
        loc = (wid & 1) * PT
        pltpu.sync_copy(bid_h.at[pl.ds(half, 128)], b_v.at[pl.ds(0, 128)])
        pltpu.sync_copy(idx_h.at[pl.ds(half, 128)], x_v.at[pl.ds(0, 128)])

        @pl.loop(0, PT)
        def _(i):
            bb = b_v[pl.ds(loc + i, 16)][0]
            xx = x_v[pl.ds(loc + i, 16)][0]
            xd = (xx * 52429) >> 22
            r0 = bb * HW
            pltpu.async_copy(cls_h.at[pl.ds(r0 + xd, 1)],
                             wbuf.at[pl.ds(i, 1)], sw)
            pltpu.async_copy(cls_h.at[pl.ds(r0 + xx, 1)],
                             lbuf.at[pl.ds(i, 1)], sl)
            pltpu.async_copy(dist_h.at[pl.ds(r0 + xx, 1)],
                             dbuf.at[pl.ds(i, 1)], sd)
            pltpu.async_copy(pred_h.at[pl.ds(bb * H + (xx >> 6), 1)],
                             pbuf.at[pl.ds(i, 1)], sp)

        pltpu.make_async_copy(wout_h.at[pl.ds(base, PT)], wbuf, sw).wait()
        pltpu.make_async_copy(lout_h.at[pl.ds(base, PT)], lbuf, sl).wait()
        pltpu.make_async_copy(dout_h.at[pl.ds(base, PT)], dbuf, sd).wait()
        pltpu.make_async_copy(pout_h.at[pl.ds(base, PT)], pbuf, sp).wait()

        pltpu.sync_copy(wbuf, wout_h.at[pl.ds(base, PT)])
        pltpu.sync_copy(lbuf, lout_h.at[pl.ds(base, PT)])
        pltpu.sync_copy(dbuf, dout_h.at[pl.ds(base, PT)])
        pltpu.sync_copy(pbuf, pout_h.at[pl.ds(base, PT)])

    return k(cls80, dist68, pred3, bid, idx)


def _dense_body(x_ref, o_ref):
    i = pl.program_id(0)
    l = x_ref[...]
    e = jnp.exp(-jnp.abs(l))
    sp = jnp.maximum(l, 0.0) + jnp.log(1.0 + e)
    sig = jnp.where(l >= 0, 1.0 / (1.0 + e), e / (1.0 + e))
    s = jnp.sum(sp * sig * sig)

    @pl.when(i == 0)
    def _():
        o_ref[...] = jnp.zeros_like(o_ref)

    o_ref[...] = o_ref[...] + s.reshape(1, 1)


def _dense_sum(cls80):
    rows = cls80.shape[0]
    blk = 8192
    return pl.pallas_call(
        _dense_body,
        grid=(rows // blk,),
        in_specs=[pl.BlockSpec((blk, C), lambda i: (i, 0))],
        out_specs=pl.BlockSpec((1, 1), lambda i: (0, 0)),
        out_shape=jax.ShapeDtypeStruct((1, 1), _f32),
    )(cls80)


def _xyxy(cx, cy, w, h):
    return cx - 0.5 * w, cy - 0.5 * h, cx + 0.5 * w, cy + 0.5 * h


def _b1_body(wrow, lrow, drow, parr, idxr, labr, tgt, q_o, l_o, sums_o):
    idv = idxr[...]
    io80 = lax.broadcasted_iota(_i32, (P, C), 1)
    w = jnp.sum(jnp.where(io80 == idv % C, wrow[...], 0.0),
                axis=1, keepdims=True)
    lg = jnp.sum(jnp.where(io80 == labr[...], lrow[...], 0.0),
                 axis=1, keepdims=True)

    io64 = lax.broadcasted_iota(_i32, (P, W), 1)
    wlane = idv % W
    pc = [jnp.sum(jnp.where(io64 == wlane, parr[:, c, :], 0.0),
                  axis=1, keepdims=True) for c in range(4)]
    io4 = lax.broadcasted_iota(_i32, (P, 4), 1)
    tc_ = [jnp.sum(jnp.where(io4 == c, tgt[...], 0.0), axis=1, keepdims=True)
           for c in range(4)]

    ax0, ay0, ax1, ay1 = _xyxy(pc[0], pc[1], pc[2], pc[3])
    bx0, by0, bx1, by1 = _xyxy(tc_[0], tc_[1], tc_[2], tc_[3])
    iw = jnp.maximum(jnp.minimum(ax1, bx1) - jnp.maximum(ax0, bx0), 0.0)
    ih = jnp.maximum(jnp.minimum(ay1, by1) - jnp.maximum(ay0, by0), 0.0)
    inter = iw * ih
    area_a = jnp.maximum(ax1 - ax0, 0.0) * jnp.maximum(ay1 - ay0, 0.0)
    area_b = jnp.maximum(bx1 - bx0, 0.0) * jnp.maximum(by1 - by0, 0.0)
    union = area_a + area_b - inter
    iou = inter / (union + EPS)
    cw = jnp.maximum(jnp.maximum(ax1, bx1) - jnp.minimum(ax0, bx0), 0.0)
    ch = jnp.maximum(jnp.maximum(ay1, by1) - jnp.minimum(ay0, by0), 0.0)
    area_c = cw * ch
    giou_l = 1.0 - (iou - (area_c - union) / (area_c + EPS))

    x68 = drow[...]
    io68 = lax.broadcasted_iota(_i32, (P, 68), 1)
    dfl_acc = jnp.zeros((P, 1), _f32)
    for s in range(4):
        lo = 17 * s
        mask = (io68 >= lo) & (io68 < lo + 17)
        label = jnp.clip(tc_[s] * REG_MAX, 0.0, REG_MAX - 1e-4)
        dl = jnp.floor(label)
        dli = dl.astype(_i32)
        wl = dl + 1.0 - label
        wr_ = label - dl
        m = jnp.max(jnp.where(mask, x68, -1e30), axis=1, keepdims=True)
        lse = jnp.log(jnp.sum(jnp.where(mask, jnp.exp(x68 - m), 0.0),
                              axis=1, keepdims=True)) + m
        xdl = jnp.sum(jnp.where(io68 == lo + dli, x68, 0.0),
                      axis=1, keepdims=True)
        xdr = jnp.sum(jnp.where(io68 == lo + dli + 1, x68, 0.0),
                      axis=1, keepdims=True)
        dfl_acc = dfl_acc + ((lse - xdl) * wl + (lse - xdr) * wr_)

    q_o[...] = iou
    l_o[...] = lg
    sums_o[...] = jnp.concatenate(
        [jnp.sum(w).reshape(1, 1),
         jnp.sum(giou_l * w).reshape(1, 1),
         jnp.sum(dfl_acc * w).reshape(1, 1),
         jnp.zeros((1, 1), _f32)], axis=1)


def _b1_call(wrow, lrow, drow, parr, idxr, labr, tgt):
    return pl.pallas_call(
        _b1_body,
        out_shape=[jax.ShapeDtypeStruct((P, 1), _f32),
                   jax.ShapeDtypeStruct((P, 1), _f32),
                   jax.ShapeDtypeStruct((1, 4), _f32)],
    )(wrow, lrow, drow, parr, idxr, labr, tgt)


_BLK = 256


def _b2_body(bidr, idxr, labr, bidc, idxc, labc, qc, lr, dense, nbp, sums, o_ref):
    keyc = bidc[...] * HW + idxc[...]
    tkeyc = keyc * C + labc[...]
    iop = lax.broadcasted_iota(_i32, (_BLK, P), 1)
    corr = jnp.zeros((1, 1), _f32)
    for rb in range(P // _BLK):
        rs = slice(rb * _BLK, (rb + 1) * _BLK)
        keyr = bidr[rs, :] * HW + idxr[rs, :]
        tkeyr = keyr * C + labr[rs, :]
        eq = keyr == keyc
        win = jnp.max(jnp.where(eq, iop, -1), axis=1, keepdims=True)
        qwin = jnp.sum(jnp.where(iop == win, qc[...], 0.0),
                       axis=1, keepdims=True)
        twin = jnp.max(jnp.where(tkeyr == tkeyc, iop, -1),
                       axis=1, keepdims=True)
        rowid = rb * _BLK + lax.broadcasted_iota(_i32, (_BLK, 1), 0)
        trep = twin == rowid
        l = lr[rs, :]
        e = jnp.exp(-jnp.abs(l))
        sp = jnp.maximum(l, 0.0) + jnp.log(1.0 + e)
        sig = jnp.where(l >= 0, 1.0 / (1.0 + e), e / (1.0 + e))
        d = sig - qwin
        term = (sp - l * qwin) * d * d
        term0 = sp * sig * sig
        corr = corr + jnp.sum(jnp.where(trep, term - term0, 0.0)).reshape(1, 1)

    nb = jnp.maximum(nbp[0, 0], 1.0)
    wt_sum = sums[0, 0]
    loss_qfl = (dense[0, 0] + corr[0, 0]) / nb
    loss_iou = sums[0, 1] / wt_sum
    loss_dfl = (sums[0, 2] / 4.0) / wt_sum
    qfl = W_QFL * loss_qfl
    dfl = W_DFL * loss_dfl
    iou = W_IOU * loss_iou
    total = qfl + dfl + iou
    o_ref[...] = jnp.concatenate(
        [total.reshape(1, 1), qfl.reshape(1, 1),
         dfl.reshape(1, 1), iou.reshape(1, 1)], axis=1)


def _b2_call(bidr, idxr, labr, bidc, idxc, labc, qc, lr, dense, nbp, sums):
    return pl.pallas_call(
        _b2_body,
        out_shape=jax.ShapeDtypeStruct((1, 4), _f32),
    )(bidr, idxr, labr, bidc, idxc, labc, qc, lr, dense, nbp, sums)


def kernel(cls_score, predicted_bbox, bbox_distribution, num_boxes_pos,
           target_feat_map_indices_batch_id_vector, target_feat_map_indices,
           target_class_label_vector, target_bounding_box_label_matrix):
    bid = target_feat_map_indices_batch_id_vector
    idx = target_feat_map_indices
    lab = target_class_label_vector
    tgt = target_bounding_box_label_matrix

    cls80 = cls_score.transpose(0, 2, 3, 1).reshape(N * HW, C)
    dist68 = bbox_distribution.reshape(N * HW, 4 * (REG_MAX + 1))
    pred3 = predicted_bbox.transpose(0, 1, 3, 2).reshape(N * H, 4, W)

    wrow, lrow, drow, parr = _sc_gather(cls80, dist68, pred3, bid, idx)

    dense = _dense_sum(cls80)

    idxr = idx.reshape(P, 1)
    labr = lab.reshape(P, 1)
    q, lg, sums = _b1_call(wrow, lrow, drow, parr, idxr, labr, tgt)

    out = _b2_call(bid.reshape(P, 1), idxr, labr,
                   bid.reshape(1, P), idx.reshape(1, P), lab.reshape(1, P),
                   q.reshape(1, P), lg, dense,
                   num_boxes_pos.reshape(1, 1), sums)
    return (out[0, 0], out[0, 1], out[0, 2], out[0, 3])

# --- scband reference (transcript-rebuilt; emitter-appended) ---
"""Pipeline reference for scband-gfocal-criterion-81458349736255 (READ-ONLY COPY).

The authoritative reference and input builder live on the scoring server;
editing this copy changes nothing except your own understanding.
"""

import jax, jax.numpy as jnp
import numpy as np

N, C, H, W = 16, 80, 64, 64
REG_MAX = 16
P = 2048
W_QFL, W_DFL, W_IOU = 1.0, 0.25, 2.0


def box_cxcywh_to_xyxy(b):
    cx, cy, w, h = b[..., 0], b[..., 1], b[..., 2], b[..., 3]
    return jnp.stack([cx - 0.5 * w, cy - 0.5 * h, cx + 0.5 * w, cy + 0.5 * h], axis=-1)


def _iou(a, b, eps=1e-7):
    lt = jnp.maximum(a[..., :2], b[..., :2])
    rb = jnp.minimum(a[..., 2:], b[..., 2:])
    wh = jnp.clip(rb - lt, 0.0, None)
    inter = wh[..., 0] * wh[..., 1]
    area_a = jnp.clip(a[..., 2] - a[..., 0], 0.0, None) * jnp.clip(a[..., 3] - a[..., 1], 0.0, None)
    area_b = jnp.clip(b[..., 2] - b[..., 0], 0.0, None) * jnp.clip(b[..., 3] - b[..., 1], 0.0, None)
    union = area_a + area_b - inter
    return inter / (union + eps), union


def quality_fn(a, b):
    return _iou(a, b)[0]


def giou_loss(a, b, eps=1e-7):
    iou, union = _iou(a, b, eps)
    lt = jnp.minimum(a[..., :2], b[..., :2])
    rb = jnp.maximum(a[..., 2:], b[..., 2:])
    wh = jnp.clip(rb - lt, 0.0, None)
    area_c = wh[..., 0] * wh[..., 1]
    return 1.0 - (iou - (area_c - union) / (area_c + eps))


def quality_focal_loss(cls_flat, labels, quality, bid, idx, beta=2.0):
    logits = cls_flat.reshape(N, H * W, C)
    score = jnp.zeros((N, H * W, C), dtype=logits.dtype)
    score = score.at[bid, idx, labels].set(quality[bid, idx])
    bce = jnp.maximum(logits, 0.0) - logits * score + jnp.log1p(jnp.exp(-jnp.abs(logits)))
    mod = jnp.abs(jax.nn.sigmoid(logits) - score) ** beta
    return (bce * mod).sum()


def distribution_focal_loss(pred, label):
    label = jnp.clip(label, 0.0, REG_MAX - 1e-4)
    dl = jnp.floor(label).astype(jnp.int32)
    dr = dl + 1
    wl = dr.astype(pred.dtype) - label
    wr = label - dl.astype(pred.dtype)
    logp = jax.nn.log_softmax(pred, axis=-1)
    ce_l = -jnp.take_along_axis(logp, dl[:, None], axis=1)[:, 0]
    ce_r = -jnp.take_along_axis(logp, dr[:, None], axis=1)[:, 0]
    return ce_l * wl + ce_r * wr


def setup_inputs(seed: int = 0):
    key = jax.random.key(seed)
    ks = jax.random.split(key, 8)
    cls_score = jax.random.normal(ks[0], (N, C, H, W), dtype=jnp.float32)
    predicted_bbox = jax.random.uniform(ks[1], (N, H, W, 4), dtype=jnp.float32, minval=0.05, maxval=0.95)
    bbox_distribution = jax.random.normal(ks[2], (N, H, W, 4 * (REG_MAX + 1)), dtype=jnp.float32)
    num_boxes_pos = jnp.full((1,), float(P), dtype=jnp.float32)
    batch_ids = jax.random.randint(ks[3], (P,), 0, N, dtype=jnp.int32)
    fmap_idx = jax.random.randint(ks[4], (P,), 0, H * W, dtype=jnp.int32)
    cls_labels = jax.random.randint(ks[5], (P,), 0, C, dtype=jnp.int32)
    tgt_boxes = jax.random.uniform(ks[6], (P, 4), dtype=jnp.float32, minval=0.05, maxval=0.95)
    return {'cls_score': cls_score, 'predicted_bbox': predicted_bbox, 'bbox_distribution': bbox_distribution, 'num_boxes_pos': num_boxes_pos, 'target_feat_map_indices_batch_id_vector': batch_ids, 'target_feat_map_indices': fmap_idx, 'target_class_label_vector': cls_labels, 'target_bounding_box_label_matrix': tgt_boxes}


def reference(cls_score, predicted_bbox, bbox_distribution, num_boxes_pos, target_feat_map_indices_batch_id_vector, target_feat_map_indices, target_class_label_vector, target_bounding_box_label_matrix):
    bid = target_feat_map_indices_batch_id_vector
    idx = target_feat_map_indices
    num_boxes = jnp.maximum(num_boxes_pos.reshape(()), 1.0)
    cls_flat = cls_score.reshape(N, C, H * W).transpose(0, 2, 1).reshape(N, H * W * C)
    weight_targets = jax.lax.stop_gradient(cls_flat)[bid, idx]
    pred_sel = predicted_bbox.reshape(N, H * W, 4)[bid, idx]
    q = quality_fn(box_cxcywh_to_xyxy(jax.lax.stop_gradient(pred_sel)), box_cxcywh_to_xyxy(target_bounding_box_label_matrix))
    quality = jnp.zeros((N, H * W), dtype=cls_flat.dtype).at[bid, idx].set(q)
    loss_qfl = quality_focal_loss(cls_flat, target_class_label_vector, quality, bid, idx) / num_boxes
    dist_sel = bbox_distribution.reshape(N, H * W, 4 * (REG_MAX + 1))[bid, idx].reshape(-1, REG_MAX + 1)
    dfl = distribution_focal_loss(dist_sel, target_bounding_box_label_matrix.reshape(-1) * REG_MAX)
    loss_dfl = (dfl * jnp.repeat(weight_targets, 4)).sum() / 4.0
    loss_iou = (giou_loss(box_cxcywh_to_xyxy(pred_sel), box_cxcywh_to_xyxy(target_bounding_box_label_matrix)) * weight_targets).sum()
    wt_sum = weight_targets.sum()
    loss_iou = loss_iou / wt_sum
    loss_dfl = loss_dfl / wt_sum
    total = W_QFL * loss_qfl + W_DFL * loss_dfl + W_IOU * loss_iou
    return (total, W_QFL * loss_qfl, W_DFL * loss_dfl, W_IOU * loss_iou)

if __name__ == "__main__":
    import jax
    _d = setup_inputs()
    print(jax.jit(kernel)(*tuple(_d.values())))

</pallas_src>

<mosaic_0001>
#map = affine_map<(d0, d1) -> (0, 0)>
#map1 = affine_map<(d0, d1) -> (0, 0, 0)>
#map2 = affine_map<(d0, d1) -> (0)>
module attributes {stable_mosaic.version = 14 : i64} {
  func.func @k(%arg0: i32, %arg1: i32, %arg2: memref<65536x80xf32, #tpu.memory_space<hbm>>, %arg3: memref<65536x68xf32, #tpu.memory_space<hbm>>, %arg4: memref<1024x4x64xf32, #tpu.memory_space<hbm>>, %arg5: memref<2048xi32, #tpu.memory_space<hbm>>, %arg6: memref<2048xi32, #tpu.memory_space<hbm>>, %arg7: memref<2048x80xf32, #tpu.memory_space<hbm>>, %arg8: memref<2048x80xf32, #tpu.memory_space<hbm>>, %arg9: memref<2048x68xf32, #tpu.memory_space<hbm>>, %arg10: memref<2048x4x64xf32, #tpu.memory_space<hbm>>, %arg11: memref<144xi32, #tpu.memory_space<vmem>>, %arg12: memref<144xi32, #tpu.memory_space<vmem>>, %arg13: memref<64x80xf32, #tpu.memory_space<vmem>>, %arg14: memref<64x80xf32, #tpu.memory_space<vmem>>, %arg15: memref<64x68xf32, #tpu.memory_space<vmem>>, %arg16: memref<64x4x64xf32, #tpu.memory_space<vmem>>, %arg17: memref<!tpu.dma_semaphore, #tpu.memory_space<semaphore_mem>>, %arg18: memref<!tpu.dma_semaphore, #tpu.memory_space<semaphore_mem>>, %arg19: memref<!tpu.dma_semaphore, #tpu.memory_space<semaphore_mem>>, %arg20: memref<!tpu.dma_semaphore, #tpu.memory_space<semaphore_mem>>) attributes {dimension_semantics = [#tpu.dimension_semantics<core_parallel>, #tpu.dimension_semantics<subcore_parallel>], iteration_bounds = array<i64: 2, 16>, scalar_prefetch = 0 : i64, scratch_operands = 10 : i64, tpu.core_type = #tpu.core_type<sc_vector_subcore>, window_params = [{transform_indices = #map}, {transform_indices = #map}, {transform_indices = #map1}, {transform_indices = #map2}, {transform_indices = #map2}, {transform_indices = #map}, {transform_indices = #map}, {transform_indices = #map}, {transform_indices = #map1}]} {
    %mul3A = arith.constant 2 : i32
    %mul3A_0 = arith.muli %arg1, %mul3A : i32
    %add3A = arith.addi %mul3A_0, %arg0 : i32
    %mul3A_1 = arith.constant 64 : i32
    %mul3A_2 = arith.muli %add3A, %mul3A_1 : i32
    %shift_right_arithmetic3A = arith.constant 1 : i32
    %shift_right_arithmetic3A_3 = arith.shrsi %add3A, %shift_right_arithmetic3A : i32
    %mul3A_4 = arith.constant 128 : i32
    %mul3A_5 = arith.muli %shift_right_arithmetic3A_3, %mul3A_4 : i32
    %and3A = arith.constant 1 : i32
    %and3A_6 = arith.andi %add3A, %and3A : i32
    %mul3A_7 = arith.constant 64 : i32
    %mul3A_8 = arith.muli %and3A_6, %mul3A_7 : i32
    "tpu.region"() ({
      %run_scoped3A = tpu.sem_alloc : memref<!tpu.dma_semaphore, #tpu.memory_space<semaphore_mem>>
      %dma_start3A = arith.constant 0 : i32
      %dma_start3A_30 = tpu.memref_slice %arg11[%dma_start3A] : memref<144xi32, #tpu.memory_space<vmem>> -> memref<128xi32, #tpu.memory_space<vmem>>
      %dma_start3A_31 = tpu.memref_slice %arg5[%mul3A_5] : memref<2048xi32, #tpu.memory_space<hbm>> -> memref<128xi32, #tpu.memory_space<hbm>>
      %dma_start3A_32 = arith.constant 0 : i32
      %dma_start3A_33 = tpu.memref_slice %arg11[%dma_start3A_32] : memref<144xi32, #tpu.memory_space<vmem>> -> memref<128xi32, #tpu.memory_space<vmem>>
      %dma_start3A_34 = tpu.memref_slice %arg5[%mul3A_5] : memref<2048xi32, #tpu.memory_space<hbm>> -> memref<128xi32, #tpu.memory_space<hbm>>
      tpu.enqueue_dma source(%dma_start3A_34 : memref<128xi32, #tpu.memory_space<hbm>>) target(%dma_start3A_33 : memref<128xi32, #tpu.memory_space<vmem>>) target_semaphore(%run_scoped3A : memref<!tpu.dma_semaphore, #tpu.memory_space<semaphore_mem>>)
      %dma_wait3A_35 = arith.constant 0 : i32
      %dma_wait3A_36 = tpu.memref_slice %arg11[%dma_wait3A_35] : memref<144xi32, #tpu.memory_space<vmem>> -> memref<128xi32, #tpu.memory_space<vmem>>
      %dma_wait3A_37 = tpu.memref_slice %arg5[%mul3A_5] : memref<2048xi32, #tpu.memory_space<hbm>> -> memref<128xi32, #tpu.memory_space<hbm>>
      %dma_wait3A_38 = arith.constant 0 : i32
      %dma_wait3A_39 = tpu.memref_slice %arg11[%dma_wait3A_38] : memref<144xi32, #tpu.memory_space<vmem>> -> memref<128xi32, #tpu.memory_space<vmem>>
      %dma_wait3A_40 = tpu.memref_slice %arg5[%mul3A_5] : memref<2048xi32, #tpu.memory_space<hbm>> -> memref<128xi32, #tpu.memory_space<hbm>>
      tpu.wait_dma2 semaphore(%run_scoped3A : memref<!tpu.dma_semaphore, #tpu.memory_space<semaphore_mem>>) src(%dma_wait3A_40 : memref<128xi32, #tpu.memory_space<hbm>>) dst(%dma_wait3A_39 : memref<128xi32, #tpu.memory_space<vmem>>)
      tpu.yield
    }) : () -> ()
    "tpu.region"() ({
      %run_scoped3A = tpu.sem_alloc : memref<!tpu.dma_semaphore, #tpu.memory_space<semaphore_mem>>
      %dma_start3A = arith.constant 0 : i32
      %dma_start3A_30 = tpu.memref_slice %arg12[%dma_start3A] : memref<144xi32, #tpu.memory_space<vmem>> -> memref<128xi32, #tpu.memory_space<vmem>>
      %dma_start3A_31 = tpu.memref_slice %arg6[%mul3A_5] : memref<2048xi32, #tpu.memory_space<hbm>> -> memref<128xi32, #tpu.memory_space<hbm>>
      %dma_start3A_32 = arith.constant 0 : i32
      %dma_start3A_33 = tpu.memref_slice %arg12[%dma_start3A_32] : memref<144xi32, #tpu.memory_space<vmem>> -> memref<128xi32, #tpu.memory_space<vmem>>
      %dma_start3A_34 = tpu.memref_slice %arg6[%mul3A_5] : memref<2048xi32, #tpu.memory_space<hbm>> -> memref<128xi32, #tpu.memory_space<hbm>>
      tpu.enqueue_dma source(%dma_start3A_34 : memref<128xi32, #tpu.memory_space<hbm>>) target(%dma_start3A_33 : memref<128xi32, #tpu.memory_space<vmem>>) target_semaphore(%run_scoped3A : memref<!tpu.dma_semaphore, #tpu.memory_space<semaphore_mem>>)
      %dma_wait3A_35 = arith.constant 0 : i32
      %dma_wait3A_36 = tpu.memref_slice %arg12[%dma_wait3A_35] : memref<144xi32, #tpu.memory_space<vmem>> -> memref<128xi32, #tpu.memory_space<vmem>>
      %dma_wait3A_37 = tpu.memref_slice %arg6[%mul3A_5] : memref<2048xi32, #tpu.memory_space<hbm>> -> memref<128xi32, #tpu.memory_space<hbm>>
      %dma_wait3A_38 = arith.constant 0 : i32
      %dma_wait3A_39 = tpu.memref_slice %arg12[%dma_wait3A_38] : memref<144xi32, #tpu.memory_space<vmem>> -> memref<128xi32, #tpu.memory_space<vmem>>
      %dma_wait3A_40 = tpu.memref_slice %arg6[%mul3A_5] : memref<2048xi32, #tpu.memory_space<hbm>> -> memref<128xi32, #tpu.memory_space<hbm>>
      tpu.wait_dma2 semaphore(%run_scoped3A : memref<!tpu.dma_semaphore, #tpu.memory_space<semaphore_mem>>) src(%dma_wait3A_40 : memref<128xi32, #tpu.memory_space<hbm>>) dst(%dma_wait3A_39 : memref<128xi32, #tpu.memory_space<vmem>>)
      tpu.yield
    }) : () -> ()
    %scan3A = arith.constant 0 : i32
    %scan3A_9 = arith.constant 64 : i32
    %scan3A_10 = arith.addi %scan3A, %scan3A_9 : i32
    %scan3A_11 = arith.constant 1 : i32
    scf.for %scan3A_30 = %scan3A to %scan3A_10 step %scan3A_11  : i32 {
      %mul3A_31 = arith.constant 1 : i32
      %mul3A_32 = arith.muli %scan3A_30, %mul3A_31 : i32
      %add3A_33 = arith.constant 0 : i32
      %add3A_34 = arith.addi %add3A_33, %mul3A_32 : i32
      %add3A_35 = arith.addi %mul3A_8, %add3A_34 : i32
      %get3A = arith.index_cast %add3A_35 : i32 to index
      %get3A_36 = tpu.vector_load %arg11[%get3A] {strides = array<i32>} : memref<144xi32, #tpu.memory_space<vmem>>, vector<16xi32>,
      %get3A_37 = vector.shape_cast %get3A_36 : vector<16xi32> to vector<16xi32>
      %slice3A = vector.extract_strided_slice %get3A_37 {offsets = [0], sizes = [1], strides = [1]} : vector<16xi32> to vector<1xi32>
      %squeeze3A = vector.extract %slice3A[0] : i32 from vector<1xi32>
      %add3A_38 = arith.addi %mul3A_8, %add3A_34 : i32
      %get3A_39 = arith.index_cast %add3A_38 : i32 to index
      %get3A_40 = tpu.vector_load %arg12[%get3A_39] {strides = array<i32>} : memref<144xi32, #tpu.memory_space<vmem>>, vector<16xi32>,
      %get3A_41 = vector.shape_cast %get3A_40 : vector<16xi32> to vector<16xi32>
      %slice3A_42 = vector.extract_strided_slice %get3A_41 {offsets = [0], sizes = [1], strides = [1]} : vector<16xi32> to vector<1xi32>
      %squeeze3A_43 = vector.extract %slice3A_42[0] : i32 from vector<1xi32>
      %mul3A_44 = arith.constant 52429 : i32
      %mul3A_45 = arith.muli %squeeze3A_43, %mul3A_44 : i32
      %shift_right_arithmetic3A_46 = arith.constant 22 : i32
      %shift_right_arithmetic3A_47 = arith.shrsi %mul3A_45, %shift_right_arithmetic3A_46 : i32
      %mul3A_48 = arith.constant 4096 : i32
      %mul3A_49 = arith.muli %squeeze3A, %mul3A_48 : i32
      %add3A_50 = arith.addi %mul3A_49, %shift_right_arithmetic3A_47 : i32
      %dma_start3A = arith.constant 0 : i32
      %dma_start3A_51 = tpu.memref_slice %arg13[%add3A_34, %dma_start3A] : memref<64x80xf32, #tpu.memory_space<vmem>> -> memref<1x80xf32, #tpu.memory_space<vmem>>
      %dma_start3A_52 = arith.constant 0 : i32
      %dma_start3A_53 = tpu.memref_slice %arg2[%add3A_50, %dma_start3A_52] : memref<65536x80xf32, #tpu.memory_space<hbm>> -> memref<1x80xf32, #tpu.memory_space<hbm>>
      %dma_start3A_54 = arith.constant 0 : i32
      %dma_start3A_55 = tpu.memref_slice %arg13[%add3A_34, %dma_start3A_54] : memref<64x80xf32, #tpu.memory_space<vmem>> -> memref<1x80xf32, #tpu.memory_space<vmem>>
      %dma_start3A_56 = arith.constant 0 : i32
      %dma_start3A_57 = tpu.memref_slice %arg2[%add3A_50, %dma_start3A_56] : memref<65536x80xf32, #tpu.memory_space<hbm>> -> memref<1x80xf32, #tpu.memory_space<hbm>>
      tpu.enqueue_dma source(%dma_start3A_57 : memref<1x80xf32, #tpu.memory_space<hbm>>) target(%dma_start3A_55 : memref<1x80xf32, #tpu.memory_space<vmem>>) target_semaphore(%arg17 : memref<!tpu.dma_semaphore, #tpu.memory_space<semaphore_mem>>)
      %add3A_58 = arith.addi %mul3A_49, %squeeze3A_43 : i32
      %dma_start3A_59 = arith.constant 0 : i32
      %dma_start3A_60 = tpu.memref_slice %arg14[%add3A_34, %dma_start3A_59] : memref<64x80xf32, #tpu.memory_space<vmem>> -> memref<1x80xf32, #tpu.memory_space<vmem>>
      %dma_start3A_61 = arith.constant 0 : i32
      %dma_start3A_62 = tpu.memref_slice %arg2[%add3A_58, %dma_start3A_61] : memref<65536x80xf32, #tpu.memory_space<hbm>> -> memref<1x80xf32, #tpu.memory_space<hbm>>
      %dma_start3A_63 = arith.constant 0 : i32
      %dma_start3A_64 = tpu.memref_slice %arg14[%add3A_34, %dma_start3A_63] : memref<64x80xf32, #tpu.memory_space<vmem>> -> memref<1x80xf32, #tpu.memory_space<vmem>>
      %dma_start3A_65 = arith.constant 0 : i32
      %dma_start3A_66 = tpu.memref_slice %arg2[%add3A_58, %dma_start3A_65] : memref<65536x80xf32, #tpu.memory_space<hbm>> -> memref<1x80xf32, #tpu.memory_space<hbm>>
      tpu.enqueue_dma source(%dma_start3A_66 : memref<1x80xf32, #tpu.memory_space<hbm>>) target(%dma_start3A_64 : memref<1x80xf32, #tpu.memory_space<vmem>>) target_semaphore(%arg18 : memref<!tpu.dma_semaphore, #tpu.memory_space<semaphore_mem>>)
      %add3A_67 = arith.addi %mul3A_49, %squeeze3A_43 : i32
      %dma_start3A_68 = arith.constant 0 : i32
      %dma_start3A_69 = tpu.memref_slice %arg15[%add3A_34, %dma_start3A_68] : memref<64x68xf32, #tpu.memory_space<vmem>> -> memref<1x68xf32, #tpu.memory_space<vmem>>
      %dma_start3A_70 = arith.constant 0 : i32
      %dma_start3A_71 = tpu.memref_slice %arg3[%add3A_67, %dma_start3A_70] : memref<65536x68xf32, #tpu.memory_space<hbm>> -> memref<1x68xf32, #tpu.memory_space<hbm>>
      %dma_start3A_72 = arith.constant 0 : i32
      %dma_start3A_73 = tpu.memref_slice %arg15[%add3A_34, %dma_start3A_72] : memref<64x68xf32, #tpu.memory_space<vmem>> -> memref<1x68xf32, #tpu.memory_space<vmem>>
      %dma_start3A_74 = arith.constant 0 : i32
      %dma_start3A_75 = tpu.memref_slice %arg3[%add3A_67, %dma_start3A_74] : memref<65536x68xf32, #tpu.memory_space<hbm>> -> memref<1x68xf32, #tpu.memory_space<hbm>>
      tpu.enqueue_dma source(%dma_start3A_75 : memref<1x68xf32, #tpu.memory_space<hbm>>) target(%dma_start3A_73 : memref<1x68xf32, #tpu.memory_space<vmem>>) target_semaphore(%arg19 : memref<!tpu.dma_semaphore, #tpu.memory_space<semaphore_mem>>)
      %mul3A_76 = arith.constant 64 : i32
      %mul3A_77 = arith.muli %squeeze3A, %mul3A_76 : i32
      %shift_right_arithmetic3A_78 = arith.constant 6 : i32
      %shift_right_arithmetic3A_79 = arith.shrsi %squeeze3A_43, %shift_right_arithmetic3A_78 : i32
      %add3A_80 = arith.addi %mul3A_77, %shift_right_arithmetic3A_79 : i32
      %dma_start3A_81 = arith.constant 0 : i32
      %dma_start3A_82 = arith.constant 0 : i32
      %dma_start3A_83 = tpu.memref_slice %arg16[%add3A_34, %dma_start3A_81, %dma_start3A_82] : memref<64x4x64xf32, #tpu.memory_space<vmem>> -> memref<1x4x64xf32, #tpu.memory_space<vmem>>
      %dma_start3A_84 = arith.constant 0 : i32
      %dma_start3A_85 = arith.constant 0 : i32
      %dma_start3A_86 = tpu.memref_slice %arg4[%add3A_80, %dma_start3A_84, %dma_start3A_85] : memref<1024x4x64xf32, #tpu.memory_space<hbm>> -> memref<1x4x64xf32, #tpu.memory_space<hbm>>
      %dma_start3A_87 = arith.constant 0 : i32
      %dma_start3A_88 = arith.constant 0 : i32
      %dma_start3A_89 = tpu.memref_slice %arg16[%add3A_34, %dma_start3A_87, %dma_start3A_88] : memref<64x4x64xf32, #tpu.memory_space<vmem>> -> memref<1x4x64xf32, #tpu.memory_space<vmem>>
      %dma_start3A_90 = arith.constant 0 : i32
      %dma_start3A_91 = arith.constant 0 : i32
      %dma_start3A_92 = tpu.memref_slice %arg4[%add3A_80, %dma_start3A_90, %dma_start3A_91] : memref<1024x4x64xf32, #tpu.memory_space<hbm>> -> memref<1x4x64xf32, #tpu.memory_space<hbm>>
      tpu.enqueue_dma source(%dma_start3A_92 : memref<1x4x64xf32, #tpu.memory_space<hbm>>) target(%dma_start3A_89 : memref<1x4x64xf32, #tpu.memory_space<vmem>>) target_semaphore(%arg20 : memref<!tpu.dma_semaphore, #tpu.memory_space<semaphore_mem>>)
    }
    %scan3A_12 = arith.constant 64 : i32
    %dma_wait3A = arith.constant 0 : i32
    %dma_wait3A_13 = tpu.memref_slice %arg7[%mul3A_2, %dma_wait3A] : memref<2048x80xf32, #tpu.memory_space<hbm>> -> memref<64x80xf32, #tpu.memory_space<hbm>>
    %dma_wait3A_14 = arith.constant 0 : i32
    %dma_wait3A_15 = tpu.memref_slice %arg7[%mul3A_2, %dma_wait3A_14] : memref<2048x80xf32, #tpu.memory_space<hbm>> -> memref<64x80xf32, #tpu.memory_space<hbm>>
    tpu.wait_dma2 semaphore(%arg17 : memref<!tpu.dma_semaphore, #tpu.memory_space<semaphore_mem>>) src(%dma_wait3A_15 : memref<64x80xf32, #tpu.memory_space<hbm>>) dst(%arg13 : memref<64x80xf32, #tpu.memory_space<vmem>>)
    %dma_wait3A_16 = arith.constant 0 : i32
    %dma_wait3A_17 = tpu.memref_slice %arg8[%mul3A_2, %dma_wait3A_16] : memref<2048x80xf32, #tpu.memory_space<hbm>> -> memref<64x80xf32, #tpu.memory_space<hbm>>
    %dma_wait3A_18 = arith.constant 0 : i32
    %dma_wait3A_19 = tpu.memref_slice %arg8[%mul3A_2, %dma_wait3A_18] : memref<2048x80xf32, #tpu.memory_space<hbm>> -> memref<64x80xf32, #tpu.memory_space<hbm>>
    tpu.wait_dma2 semaphore(%arg18 : memref<!tpu.dma_semaphore, #tpu.memory_space<semaphore_mem>>) src(%dma_wait3A_19 : memref<64x80xf32, #tpu.memory_space<hbm>>) dst(%arg14 : memref<64x80xf32, #tpu.memory_space<vmem>>)
    %dma_wait3A_20 = arith.constant 0 : i32
    %dma_wait3A_21 = tpu.memref_slice %arg9[%mul3A_2, %dma_wait3A_20] : memref<2048x68xf32, #tpu.memory_space<hbm>> -> memref<64x68xf32, #tpu.memory_space<hbm>>
    %dma_wait3A_22 = arith.constant 0 : i32
    %dma_wait3A_23 = tpu.memref_slice %arg9[%mul3A_2, %dma_wait3A_22] : memref<2048x68xf32, #tpu.memory_space<hbm>> -> memref<64x68xf32, #tpu.memory_space<hbm>>
    tpu.wait_dma2 semaphore(%arg19 : memref<!tpu.dma_semaphore, #tpu.memory_space<semaphore_mem>>) src(%dma_wait3A_23 : memref<64x68xf32, #tpu.memory_space<hbm>>) dst(%arg15 : memref<64x68xf32, #tpu.memory_space<vmem>>)
    %dma_wait3A_24 = arith.constant 0 : i32
    %dma_wait3A_25 = arith.constant 0 : i32
    %dma_wait3A_26 = tpu.memref_slice %arg10[%mul3A_2, %dma_wait3A_24, %dma_wait3A_25] : memref<2048x4x64xf32, #tpu.memory_space<hbm>> -> memref<64x4x64xf32, #tpu.memory_space<hbm>>
    %dma_wait3A_27 = arith.constant 0 : i32
    %dma_wait3A_28 = arith.constant 0 : i32
    %dma_wait3A_29 = tpu.memref_slice %arg10[%mul3A_2, %dma_wait3A_27, %dma_wait3A_28] : memref<2048x4x64xf32, #tpu.memory_space<hbm>> -> memref<64x4x64xf32, #tpu.memory_space<hbm>>
    tpu.wait_dma2 semaphore(%arg20 : memref<!tpu.dma_semaphore, #tpu.memory_space<semaphore_mem>>) src(%dma_wait3A_29 : memref<64x4x64xf32, #tpu.memory_space<hbm>>) dst(%arg16 : memref<64x4x64xf32, #tpu.memory_space<vmem>>)
    "tpu.region"() ({
      %run_scoped3A = tpu.sem_alloc : memref<!tpu.dma_semaphore, #tpu.memory_space<semaphore_mem>>
      %dma_start3A = arith.constant 0 : i32
      %dma_start3A_30 = tpu.memref_slice %arg7[%mul3A_2, %dma_start3A] : memref<2048x80xf32, #tpu.memory_space<hbm>> -> memref<64x80xf32, #tpu.memory_space<hbm>>
      %dma_start3A_31 = arith.constant 0 : i32
      %dma_start3A_32 = tpu.memref_slice %arg7[%mul3A_2, %dma_start3A_31] : memref<2048x80xf32, #tpu.memory_space<hbm>> -> memref<64x80xf32, #tpu.memory_space<hbm>>
      tpu.enqueue_dma source(%arg13 : memref<64x80xf32, #tpu.memory_space<vmem>>) target(%dma_start3A_32 : memref<64x80xf32, #tpu.memory_space<hbm>>) target_semaphore(%run_scoped3A : memref<!tpu.dma_semaphore, #tpu.memory_space<semaphore_mem>>)
      %dma_wait3A_33 = arith.constant 0 : i32
      %dma_wait3A_34 = tpu.memref_slice %arg7[%mul3A_2, %dma_wait3A_33] : memref<2048x80xf32, #tpu.memory_space<hbm>> -> memref<64x80xf32, #tpu.memory_space<hbm>>
      %dma_wait3A_35 = arith.constant 0 : i32
      %dma_wait3A_36 = tpu.memref_slice %arg7[%mul3A_2, %dma_wait3A_35] : memref<2048x80xf32, #tpu.memory_space<hbm>> -> memref<64x80xf32, #tpu.memory_space<hbm>>
      tpu.wait_dma2 semaphore(%run_scoped3A : memref<!tpu.dma_semaphore, #tpu.memory_space<semaphore_mem>>) src(%arg13 : memref<64x80xf32, #tpu.memory_space<vmem>>) dst(%dma_wait3A_36 : memref<64x80xf32, #tpu.memory_space<hbm>>)
      tpu.yield
    }) : () -> ()
    "tpu.region"() ({
      %run_scoped3A = tpu.sem_alloc : memref<!tpu.dma_semaphore, #tpu.memory_space<semaphore_mem>>
      %dma_start3A = arith.constant 0 : i32
      %dma_start3A_30 = tpu.memref_slice %arg8[%mul3A_2, %dma_start3A] : memref<2048x80xf32, #tpu.memory_space<hbm>> -> memref<64x80xf32, #tpu.memory_space<hbm>>
      %dma_start3A_31 = arith.constant 0 : i32
      %dma_start3A_32 = tpu.memref_slice %arg8[%mul3A_2, %dma_start3A_31] : memref<2048x80xf32, #tpu.memory_space<hbm>> -> memref<64x80xf32, #tpu.memory_space<hbm>>
      tpu.enqueue_dma source(%arg14 : memref<64x80xf32, #tpu.memory_space<vmem>>) target(%dma_start3A_32 : memref<64x80xf32, #tpu.memory_space<hbm>>) target_semaphore(%run_scoped3A : memref<!tpu.dma_semaphore, #tpu.memory_space<semaphore_mem>>)
      %dma_wait3A_33 = arith.constant 0 : i32
      %dma_wait3A_34 = tpu.memref_slice %arg8[%mul3A_2, %dma_wait3A_33] : memref<2048x80xf32, #tpu.memory_space<hbm>> -> memref<64x80xf32, #tpu.memory_space<hbm>>
      %dma_wait3A_35 = arith.constant 0 : i32
      %dma_wait3A_36 = tpu.memref_slice %arg8[%mul3A_2, %dma_wait3A_35] : memref<2048x80xf32, #tpu.memory_space<hbm>> -> memref<64x80xf32, #tpu.memory_space<hbm>>
      tpu.wait_dma2 semaphore(%run_scoped3A : memref<!tpu.dma_semaphore, #tpu.memory_space<semaphore_mem>>) src(%arg14 : memref<64x80xf32, #tpu.memory_space<vmem>>) dst(%dma_wait3A_36 : memref<64x80xf32, #tpu.memory_space<hbm>>)
      tpu.yield
    }) : () -> ()
    "tpu.region"() ({
      %run_scoped3A = tpu.sem_alloc : memref<!tpu.dma_semaphore, #tpu.memory_space<semaphore_mem>>
      %dma_start3A = arith.constant 0 : i32
      %dma_start3A_30 = tpu.memref_slice %arg9[%mul3A_2, %dma_start3A] : memref<2048x68xf32, #tpu.memory_space<hbm>> -> memref<64x68xf32, #tpu.memory_space<hbm>>
      %dma_start3A_31 = arith.constant 0 : i32
      %dma_start3A_32 = tpu.memref_slice %arg9[%mul3A_2, %dma_start3A_31] : memref<2048x68xf32, #tpu.memory_space<hbm>> -> memref<64x68xf32, #tpu.memory_space<hbm>>
      tpu.enqueue_dma source(%arg15 : memref<64x68xf32, #tpu.memory_space<vmem>>) target(%dma_start3A_32 : memref<64x68xf32, #tpu.memory_space<hbm>>) target_semaphore(%run_scoped3A : memref<!tpu.dma_semaphore, #tpu.memory_space<semaphore_mem>>)
      %dma_wait3A_33 = arith.constant 0 : i32
      %dma_wait3A_34 = tpu.memref_slice %arg9[%mul3A_2, %dma_wait3A_33] : memref<2048x68xf32, #tpu.memory_space<hbm>> -> memref<64x68xf32, #tpu.memory_space<hbm>>
      %dma_wait3A_35 = arith.constant 0 : i32
      %dma_wait3A_36 = tpu.memref_slice %arg9[%mul3A_2, %dma_wait3A_35] : memref<2048x68xf32, #tpu.memory_space<hbm>> -> memref<64x68xf32, #tpu.memory_space<hbm>>
      tpu.wait_dma2 semaphore(%run_scoped3A : memref<!tpu.dma_semaphore, #tpu.memory_space<semaphore_mem>>) src(%arg15 : memref<64x68xf32, #tpu.memory_space<vmem>>) dst(%dma_wait3A_36 : memref<64x68xf32, #tpu.memory_space<hbm>>)
      tpu.yield
    }) : () -> ()
    "tpu.region"() ({
      %run_scoped3A = tpu.sem_alloc : memref<!tpu.dma_semaphore, #tpu.memory_space<semaphore_mem>>
      %dma_start3A = arith.constant 0 : i32
      %dma_start3A_30 = arith.constant 0 : i32
      %dma_start3A_31 = tpu.memref_slice %arg10[%mul3A_2, %dma_start3A, %dma_start3A_30] : memref<2048x4x64xf32, #tpu.memory_space<hbm>> -> memref<64x4x64xf32, #tpu.memory_space<hbm>>
      %dma_start3A_32 = arith.constant 0 : i32
      %dma_start3A_33 = arith.constant 0 : i32
      %dma_start3A_34 = tpu.memref_slice %arg10[%mul3A_2, %dma_start3A_32, %dma_start3A_33] : memref<2048x4x64xf32, #tpu.memory_space<hbm>> -> memref<64x4x64xf32, #tpu.memory_space<hbm>>
      tpu.enqueue_dma source(%arg16 : memref<64x4x64xf32, #tpu.memory_space<vmem>>) target(%dma_start3A_34 : memref<64x4x64xf32, #tpu.memory_space<hbm>>) target_semaphore(%run_scoped3A : memref<!tpu.dma_semaphore, #tpu.memory_space<semaphore_mem>>)
      %dma_wait3A_35 = arith.constant 0 : i32
      %dma_wait3A_36 = arith.constant 0 : i32
      %dma_wait3A_37 = tpu.memref_slice %arg10[%mul3A_2, %dma_wait3A_35, %dma_wait3A_36] : memref<2048x4x64xf32, #tpu.memory_space<hbm>> -> memref<64x4x64xf32, #tpu.memory_space<hbm>>
      %dma_wait3A_38 = arith.constant 0 : i32
      %dma_wait3A_39 = arith.constant 0 : i32
      %dma_wait3A_40 = tpu.memref_slice %arg10[%mul3A_2, %dma_wait3A_38, %dma_wait3A_39] : memref<2048x4x64xf32, #tpu.memory_space<hbm>> -> memref<64x4x64xf32, #tpu.memory_space<hbm>>
      tpu.wait_dma2 semaphore(%run_scoped3A : memref<!tpu.dma_semaphore, #tpu.memory_space<semaphore_mem>>) src(%arg16 : memref<64x4x64xf32, #tpu.memory_space<vmem>>) dst(%dma_wait3A_40 : memref<64x4x64xf32, #tpu.memory_space<hbm>>)
      tpu.yield
    }) : () -> ()
    return
  }
}

module attributes {stable_mosaic.version = 14 : i64} {
  func.func @_dense_body(%arg0: i32, %arg1: memref<8192x80xf32, #tpu.memory_space<vmem>>, %arg2: memref<1x1xf32, #tpu.memory_space<vmem>>) attributes {dimension_semantics = [#tpu.dimension_semantics<arbitrary>], iteration_bounds = array<i64: 8>, scalar_prefetch = 0 : i64, scratch_operands = 0 : i64, tpu.core_type = #tpu.core_type<tc>, window_params = [{transform_indices = @transform_0, window_bounds = array<i64: 8192, 80>}, {pipeline_mode = #tpu.pipeline_mode<synchronous>, transform_indices = @transform_1, window_bounds = array<i64: 1, 1>}]} {
    %get3A = arith.constant 0 : index
    %get3A_0 = arith.constant 0 : index
    %get3A_1 = vector.load %arg1[%get3A, %get3A_0] : memref<8192x80xf32, #tpu.memory_space<vmem>>, vector<8192x80xf32>
    %abs3A = math.absf %get3A_1 : vector<8192x80xf32>
    %neg3A = arith.constant 0.000000e+00 : f32
    %neg3A_2 = vector.broadcast %neg3A : f32 to vector<8192x80xf32>
    %neg3A_3 = arith.subf %neg3A_2, %abs3A : vector<8192x80xf32>
    %exp3A = math.exp %neg3A_3 : vector<8192x80xf32>
    %max3A = arith.constant 0.000000e+00 : f32
    %max3A_4 = vector.broadcast %max3A : f32 to vector<8192x80xf32>
    %max3A_5 = arith.maximumf %get3A_1, %max3A_4 : vector<8192x80xf32>
    %add3A = arith.constant 1.000000e+00 : f32
    %add3A_6 = vector.broadcast %add3A : f32 to vector<8192x80xf32>
    %add3A_7 = arith.addf %add3A_6, %exp3A : vector<8192x80xf32>
    %log3A = math.log %add3A_7 : vector<8192x80xf32>
    %add3A_8 = arith.addf %max3A_5, %log3A : vector<8192x80xf32>
    %ge3A = arith.constant 0.000000e+00 : f32
    %ge3A_9 = vector.broadcast %ge3A : f32 to vector<8192x80xf32>
    %ge3A_10 = arith.cmpf oge, %get3A_1, %ge3A_9 : vector<8192x80xf32>
    %add3A_11 = arith.constant 1.000000e+00 : f32
    %add3A_12 = vector.broadcast %add3A_11 : f32 to vector<8192x80xf32>
    %add3A_13 = arith.addf %add3A_12, %exp3A : vector<8192x80xf32>
    %div3A = arith.constant 1.000000e+00 : f32
    %div3A_14 = vector.broadcast %div3A : f32 to vector<8192x80xf32>
    %div3A_15 = arith.divf %div3A_14, %add3A_13 : vector<8192x80xf32>
    %add3A_16 = arith.constant 1.000000e+00 : f32
    %add3A_17 = vector.broadcast %add3A_16 : f32 to vector<8192x80xf32>
    %add3A_18 = arith.addf %add3A_17, %exp3A : vector<8192x80xf32>
    %div3A_19 = arith.divf %exp3A, %add3A_18 : vector<8192x80xf32>
    %select_n3A = arith.select %ge3A_10, %div3A_15, %div3A_19 : vector<8192x80xi1>, vector<8192x80xf32>
    %mul3A = arith.mulf %add3A_8, %select_n3A : vector<8192x80xf32>
    %mul3A_20 = arith.mulf %mul3A, %select_n3A : vector<8192x80xf32>
    %reduce_sum3A = vector.shape_cast %mul3A_20 : vector<8192x80xf32> to vector<1x8192x80xf32>
    %reduce_sum3A_21 = arith.constant dense<0.000000e+00> : vector<1xf32>
    %reduce_sum3A_22 = vector.multi_reduction <add>, %reduce_sum3A, %reduce_sum3A_21 [1, 2] : vector<1x8192x80xf32> to vector<1xf32>
    %reduce_sum3A_23 = vector.shape_cast %reduce_sum3A_22 : vector<1xf32> to vector<1x1x1xf32>
    %reduce_sum3A_24 = vector.extract %reduce_sum3A_23[0, 0, 0] : f32 from vector<1x1x1xf32>
    %eq3A = arith.constant 0 : i32
    %eq3A_25 = arith.cmpi eq, %arg0, %eq3A : i32
    %convert_element_type3A = arith.extui %eq3A_25 : i1 to i32
    %cond3A = arith.constant 0 : i32
    %cond3A_26 = arith.cmpi ne, %convert_element_type3A, %cond3A : i32
    scf.if %cond3A_26 {
      %broadcast_in_dim3A = arith.constant 0.000000e+00 : f32
      %broadcast_in_dim3A_33 = vector.broadcast %broadcast_in_dim3A : f32 to vector<1x1xf32>
      %swap3A_34 = arith.constant 0 : index
      %swap3A_35 = arith.constant 0 : index
      %swap3A_36 = vector.load %arg2[%swap3A_34, %swap3A_35] : memref<1x1xf32, #tpu.memory_space<vmem>>, vector<1x1xf32>
      tpu.vector_store %arg2[%swap3A_34, %swap3A_35], %broadcast_in_dim3A_33 {strides = array<i32>} : memref<1x1xf32, #tpu.memory_space<vmem>>, vector<1x1xf32>,
    } else {
    }
    %get3A_27 = arith.constant 0 : index
    %get3A_28 = arith.constant 0 : index
    %get3A_29 = vector.load %arg2[%get3A_27, %get3A_28] : memref<1x1xf32, #tpu.memory_space<vmem>>, vector<1x1xf32>
    %reshape3A = vector.broadcast %reduce_sum3A_24 : f32 to vector<1x1xf32>
    %add3A_30 = arith.addf %get3A_29, %reshape3A : vector<1x1xf32>
    %swap3A = arith.constant 0 : index
    %swap3A_31 = arith.constant 0 : index
    %swap3A_32 = vector.load %arg2[%swap3A, %swap3A_31] : memref<1x1xf32, #tpu.memory_space<vmem>>, vector<1x1xf32>
    tpu.vector_store %arg2[%swap3A, %swap3A_31], %add3A_30 {strides = array<i32>} : memref<1x1xf32, #tpu.memory_space<vmem>>, vector<1x1xf32>,
    return
  }
  func.func @transform_0(%arg0: i32) -> (i32, i32) {
    %c0_i32 = arith.constant 0 : i32
    %c0_i32_0 = arith.constant 0 : i32
    return %arg0, %c0_i32 : i32, i32
  }
  func.func @transform_1(%arg0: i32) -> (i32, i32) {
    %c0_i32 = arith.constant 0 : i32
    %c0_i32_0 = arith.constant 0 : i32
    %c0_i32_1 = arith.constant 0 : i32
    return %c0_i32, %c0_i32_0 : i32, i32
  }
}

module attributes {stable_mosaic.version = 14 : i64} {
  func.func @_b1_body(%arg0: memref<2048x80xf32, #tpu.memory_space<vmem>>, %arg1: memref<2048x80xf32, #tpu.memory_space<vmem>>, %arg2: memref<2048x68xf32, #tpu.memory_space<vmem>>, %arg3: memref<2048x4x64xf32, #tpu.memory_space<vmem>>, %arg4: memref<2048x1xi32, #tpu.memory_space<vmem>>, %arg5: memref<2048x1xi32, #tpu.memory_space<vmem>>, %arg6: memref<2048x4xf32, #tpu.memory_space<vmem>>, %arg7: memref<2048x1xf32, #tpu.memory_space<vmem>>, %arg8: memref<2048x1xf32, #tpu.memory_space<vmem>>, %arg9: memref<1x4xf32, #tpu.memory_space<vmem>>) attributes {dimension_semantics = [], scalar_prefetch = 0 : i64, scratch_operands = 0 : i64, tpu.core_type = #tpu.core_type<tc>} {
    %get3A = arith.constant 0 : index
    %get3A_0 = arith.constant 0 : index
    %get3A_1 = vector.load %arg4[%get3A, %get3A_0] : memref<2048x1xi32, #tpu.memory_space<vmem>>, vector<2048x1xi32>
    %iota3A = tpu.iota {dimensions = array<i32: 1>} : vector<2048x80xi32>
    %jit3A = arith.constant 80 : i32
    %eq3A = arith.constant 0 : i32
    %eq3A_2 = arith.cmpi eq, %jit3A, %eq3A : i32
    %jit3A_3 = arith.constant 1 : i32
    %select_n3A = arith.select %eq3A_2, %jit3A_3, %jit3A : i32
    %rem3A = vector.broadcast %select_n3A : i32 to vector<2048x1xi32>
    %rem3A_4 = arith.remsi %get3A_1, %rem3A : vector<2048x1xi32>
    %ne3A = arith.constant 0 : i32
    %ne3A_5 = vector.broadcast %ne3A : i32 to vector<2048x1xi32>
    %ne3A_6 = arith.cmpi ne, %rem3A_4, %ne3A_5 : vector<2048x1xi32>
    %lt3A = arith.constant 0 : i32
    %lt3A_7 = vector.broadcast %lt3A : i32 to vector<2048x1xi32>
    %lt3A_8 = arith.cmpi slt, %rem3A_4, %lt3A_7 : vector<2048x1xi32>
    %lt3A_9 = arith.constant 0 : i32
    %lt3A_10 = arith.cmpi slt, %select_n3A, %lt3A_9 : i32
    %ne3A_11 = vector.broadcast %lt3A_10 : i1 to vector<2048x1xi1>
    %ne3A_12 = vector.broadcast %ne3A_11 : vector<2048x1xi1> to vector<2048x1xi1>
    %ne3A_13 = arith.xori %lt3A_8, %ne3A_12 : vector<2048x1xi1>
    %and3A = arith.andi %ne3A_13, %ne3A_6 : vector<2048x1xi1>
    %add3A = vector.broadcast %select_n3A : i32 to vector<2048x1xi32>
    %add3A_14 = arith.addi %rem3A_4, %add3A : vector<2048x1xi32>
    %select_n3A_15 = arith.select %and3A, %add3A_14, %rem3A_4 : vector<2048x1xi1>, vector<2048x1xi32>
    %eq3A_16 = vector.broadcast %select_n3A_15 : vector<2048x1xi32> to vector<2048x80xi32>
    %eq3A_17 = arith.cmpi eq, %iota3A, %eq3A_16 : vector<2048x80xi32>
    %get3A_18 = arith.constant 0 : index
    %get3A_19 = arith.constant 0 : index
    %get3A_20 = vector.load %arg0[%get3A_18, %get3A_19] : memref<2048x80xf32, #tpu.memory_space<vmem>>, vector<2048x80xf32>
    %jit3A_21 = arith.constant 0.000000e+00 : f32
    %broadcast_in_dim3A = vector.broadcast %jit3A_21 : f32 to vector<2048x80xf32>
    %select_n3A_22 = arith.select %eq3A_17, %get3A_20, %broadcast_in_dim3A : vector<2048x80xi1>, vector<2048x80xf32>
    %reduce_sum3A = arith.constant dense<0.000000e+00> : vector<2048xf32>
    %reduce_sum3A_23 = vector.multi_reduction <add>, %select_n3A_22, %reduce_sum3A [1] : vector<2048x80xf32> to vector<2048xf32>
    %broadcast_in_dim3A_24 = vector.shape_cast %reduce_sum3A_23 : vector<2048xf32> to vector<2048x1xf32>
    %get3A_25 = arith.constant 0 : index
    %get3A_26 = arith.constant 0 : index
    %get3A_27 = vector.load %arg5[%get3A_25, %get3A_26] : memref<2048x1xi32, #tpu.memory_space<vmem>>, vector<2048x1xi32>
    %eq3A_28 = vector.broadcast %get3A_27 : vector<2048x1xi32> to vector<2048x80xi32>
    %eq3A_29 = arith.cmpi eq, %iota3A, %eq3A_28 : vector<2048x80xi32>
    %get3A_30 = arith.constant 0 : index
    %get3A_31 = arith.constant 0 : index
    %get3A_32 = vector.load %arg1[%get3A_30, %get3A_31] : memref<2048x80xf32, #tpu.memory_space<vmem>>, vector<2048x80xf32>
    %jit3A_33 = arith.constant 0.000000e+00 : f32
    %broadcast_in_dim3A_34 = vector.broadcast %jit3A_33 : f32 to vector<2048x80xf32>
    %select_n3A_35 = arith.select %eq3A_29, %get3A_32, %broadcast_in_dim3A_34 : vector<2048x80xi1>, vector<2048x80xf32>
    %reduce_sum3A_36 = arith.constant dense<0.000000e+00> : vector<2048xf32>
    %reduce_sum3A_37 = vector.multi_reduction <add>, %select_n3A_35, %reduce_sum3A_36 [1] : vector<2048x80xf32> to vector<2048xf32>
    %broadcast_in_dim3A_38 = vector.shape_cast %reduce_sum3A_37 : vector<2048xf32> to vector<2048x1xf32>
    %iota3A_39 = tpu.iota {dimensions = array<i32: 1>} : vector<2048x64xi32>
    %jit3A_40 = arith.constant 64 : i32
    %eq3A_41 = arith.constant 0 : i32
    %eq3A_42 = arith.cmpi eq, %jit3A_40, %eq3A_41 : i32
    %jit3A_43 = arith.constant 1 : i32
    %select_n3A_44 = arith.select %eq3A_42, %jit3A_43, %jit3A_40 : i32
    %rem3A_45 = vector.broadcast %select_n3A_44 : i32 to vector<2048x1xi32>
    %rem3A_46 = arith.remsi %get3A_1, %rem3A_45 : vector<2048x1xi32>
    %ne3A_47 = arith.constant 0 : i32
    %ne3A_48 = vector.broadcast %ne3A_47 : i32 to vector<2048x1xi32>
    %ne3A_49 = arith.cmpi ne, %rem3A_46, %ne3A_48 : vector<2048x1xi32>
    %lt3A_50 = arith.constant 0 : i32
    %lt3A_51 = vector.broadcast %lt3A_50 : i32 to vector<2048x1xi32>
    %lt3A_52 = arith.cmpi slt, %rem3A_46, %lt3A_51 : vector<2048x1xi32>
    %lt3A_53 = arith.constant 0 : i32
    %lt3A_54 = arith.cmpi slt, %select_n3A_44, %lt3A_53 : i32
    %ne3A_55 = vector.broadcast %lt3A_54 : i1 to vector<2048x1xi1>
    %ne3A_56 = vector.broadcast %ne3A_55 : vector<2048x1xi1> to vector<2048x1xi1>
    %ne3A_57 = arith.xori %lt3A_52, %ne3A_56 : vector<2048x1xi1>
    %and3A_58 = arith.andi %ne3A_57, %ne3A_49 : vector<2048x1xi1>
    %add3A_59 = vector.broadcast %select_n3A_44 : i32 to vector<2048x1xi32>
    %add3A_60 = arith.addi %rem3A_46, %add3A_59 : vector<2048x1xi32>
    %select_n3A_61 = arith.select %and3A_58, %add3A_60, %rem3A_46 : vector<2048x1xi1>, vector<2048x1xi32>
    %eq3A_62 = vector.broadcast %select_n3A_61 : vector<2048x1xi32> to vector<2048x64xi32>
    %eq3A_63 = arith.cmpi eq, %iota3A_39, %eq3A_62 : vector<2048x64xi32>
    %get3A_64 = arith.constant 0 : index
    %get3A_65 = arith.constant 0 : index
    %get3A_66 = arith.constant 0 : index
    %get3A_67 = vector.load %arg3[%get3A_64, %get3A_65, %get3A_66] : memref<2048x4x64xf32, #tpu.memory_space<vmem>>, vector<2048x1x64xf32>
    %get3A_68 = vector.shape_cast %get3A_67 : vector<2048x1x64xf32> to vector<2048x64xf32>
    %jit3A_69 = arith.constant 0.000000e+00 : f32
    %broadcast_in_dim3A_70 = vector.broadcast %jit3A_69 : f32 to vector<2048x64xf32>
    %select_n3A_71 = arith.select %eq3A_63, %get3A_68, %broadcast_in_dim3A_70 : vector<2048x64xi1>, vector<2048x64xf32>
    %reduce_sum3A_72 = arith.constant dense<0.000000e+00> : vector<2048xf32>
    %reduce_sum3A_73 = vector.multi_reduction <add>, %select_n3A_71, %reduce_sum3A_72 [1] : vector<2048x64xf32> to vector<2048xf32>
    %broadcast_in_dim3A_74 = vector.shape_cast %reduce_sum3A_73 : vector<2048xf32> to vector<2048x1xf32>
    %eq3A_75 = vector.broadcast %select_n3A_61 : vector<2048x1xi32> to vector<2048x64xi32>
    %eq3A_76 = arith.cmpi eq, %iota3A_39, %eq3A_75 : vector<2048x64xi32>
    %get3A_77 = arith.constant 0 : index
    %get3A_78 = arith.constant 1 : index
    %get3A_79 = arith.constant 0 : index
    %get3A_80 = vector.load %arg3[%get3A_77, %get3A_78, %get3A_79] : memref<2048x4x64xf32, #tpu.memory_space<vmem>>, vector<2048x1x64xf32>
    %get3A_81 = vector.shape_cast %get3A_80 : vector<2048x1x64xf32> to vector<2048x64xf32>
    %jit3A_82 = arith.constant 0.000000e+00 : f32
    %broadcast_in_dim3A_83 = vector.broadcast %jit3A_82 : f32 to vector<2048x64xf32>
    %select_n3A_84 = arith.select %eq3A_76, %get3A_81, %broadcast_in_dim3A_83 : vector<2048x64xi1>, vector<2048x64xf32>
    %reduce_sum3A_85 = arith.constant dense<0.000000e+00> : vector<2048xf32>
    %reduce_sum3A_86 = vector.multi_reduction <add>, %select_n3A_84, %reduce_sum3A_85 [1] : vector<2048x64xf32> to vector<2048xf32>
    %broadcast_in_dim3A_87 = vector.shape_cast %reduce_sum3A_86 : vector<2048xf32> to vector<2048x1xf32>
    %eq3A_88 = vector.broadcast %select_n3A_61 : vector<2048x1xi32> to vector<2048x64xi32>
    %eq3A_89 = arith.cmpi eq, %iota3A_39, %eq3A_88 : vector<2048x64xi32>
    %get3A_90 = arith.constant 0 : index
    %get3A_91 = arith.constant 2 : index
    %get3A_92 = arith.constant 0 : index
    %get3A_93 = vector.load %arg3[%get3A_90, %get3A_91, %get3A_92] : memref<2048x4x64xf32, #tpu.memory_space<vmem>>, vector<2048x1x64xf32>
    %get3A_94 = vector.shape_cast %get3A_93 : vector<2048x1x64xf32> to vector<2048x64xf32>
    %jit3A_95 = arith.constant 0.000000e+00 : f32
    %broadcast_in_dim3A_96 = vector.broadcast %jit3A_95 : f32 to vector<2048x64xf32>
    %select_n3A_97 = arith.select %eq3A_89, %get3A_94, %broadcast_in_dim3A_96 : vector<2048x64xi1>, vector<2048x64xf32>
    %reduce_sum3A_98 = arith.constant dense<0.000000e+00> : vector<2048xf32>
    %reduce_sum3A_99 = vector.multi_reduction <add>, %select_n3A_97, %reduce_sum3A_98 [1] : vector<2048x64xf32> to vector<2048xf32>
    %broadcast_in_dim3A_100 = vector.shape_cast %reduce_sum3A_99 : vector<2048xf32> to vector<2048x1xf32>
    %eq3A_101 = vector.broadcast %select_n3A_61 : vector<2048x1xi32> to vector<2048x64xi32>
    %eq3A_102 = arith.cmpi eq, %iota3A_39, %eq3A_101 : vector<2048x64xi32>
    %get3A_103 = arith.constant 0 : index
    %get3A_104 = arith.constant 3 : index
    %get3A_105 = arith.constant 0 : index
    %get3A_106 = vector.load %arg3[%get3A_103, %get3A_104, %get3A_105] : memref<2048x4x64xf32, #tpu.memory_space<vmem>>, vector<2048x1x64xf32>
    %get3A_107 = vector.shape_cast %get3A_106 : vector<2048x1x64xf32> to vector<2048x64xf32>
    %jit3A_108 = arith.constant 0.000000e+00 : f32
    %broadcast_in_dim3A_109 = vector.broadcast %jit3A_108 : f32 to vector<2048x64xf32>
    %select_n3A_110 = arith.select %eq3A_102, %get3A_107, %broadcast_in_dim3A_109 : vector<2048x64xi1>, vector<2048x64xf32>
    %reduce_sum3A_111 = arith.constant dense<0.000000e+00> : vector<2048xf32>
    %reduce_sum3A_112 = vector.multi_reduction <add>, %select_n3A_110, %reduce_sum3A_111 [1] : vector<2048x64xf32> to vector<2048xf32>
    %broadcast_in_dim3A_113 = vector.shape_cast %reduce_sum3A_112 : vector<2048xf32> to vector<2048x1xf32>
    %iota3A_114 = tpu.iota {dimensions = array<i32: 1>} : vector<2048x4xi32>
    %eq3A_115 = arith.constant 0 : i32
    %eq3A_116 = vector.broadcast %eq3A_115 : i32 to vector<2048x4xi32>
    %eq3A_117 = arith.cmpi eq, %iota3A_114, %eq3A_116 : vector<2048x4xi32>
    %get3A_118 = arith.constant 0 : index
    %get3A_119 = arith.constant 0 : index
    %get3A_120 = vector.load %arg6[%get3A_118, %get3A_119] : memref<2048x4xf32, #tpu.memory_space<vmem>>, vector<2048x4xf32>
    %jit3A_121 = arith.constant 0.000000e+00 : f32
    %broadcast_in_dim3A_122 = vector.broadcast %jit3A_121 : f32 to vector<2048x4xf32>
    %select_n3A_123 = arith.select %eq3A_117, %get3A_120, %broadcast_in_dim3A_122 : vector<2048x4xi1>, vector<2048x4xf32>
    %reduce_sum3A_124 = arith.constant dense<0.000000e+00> : vector<2048xf32>
    %reduce_sum3A_125 = vector.multi_reduction <add>, %select_n3A_123, %reduce_sum3A_124 [1] : vector<2048x4xf32> to vector<2048xf32>
    %broadcast_in_dim3A_126 = vector.shape_cast %reduce_sum3A_125 : vector<2048xf32> to vector<2048x1xf32>
    %eq3A_127 = arith.constant 1 : i32
    %eq3A_128 = vector.broadcast %eq3A_127 : i32 to vector<2048x4xi32>
    %eq3A_129 = arith.cmpi eq, %iota3A_114, %eq3A_128 : vector<2048x4xi32>
    %get3A_130 = arith.constant 0 : index
    %get3A_131 = arith.constant 0 : index
    %get3A_132 = vector.load %arg6[%get3A_130, %get3A_131] : memref<2048x4xf32, #tpu.memory_space<vmem>>, vector<2048x4xf32>
    %jit3A_133 = arith.constant 0.000000e+00 : f32
    %broadcast_in_dim3A_134 = vector.broadcast %jit3A_133 : f32 to vector<2048x4xf32>
    %select_n3A_135 = arith.select %eq3A_129, %get3A_132, %broadcast_in_dim3A_134 : vector<2048x4xi1>, vector<2048x4xf32>
    %reduce_sum3A_136 = arith.constant dense<0.000000e+00> : vector<2048xf32>
    %reduce_sum3A_137 = vector.multi_reduction <add>, %select_n3A_135, %reduce_sum3A_136 [1] : vector<2048x4xf32> to vector<2048xf32>
    %broadcast_in_dim3A_138 = vector.shape_cast %reduce_sum3A_137 : vector<2048xf32> to vector<2048x1xf32>
    %eq3A_139 = arith.constant 2 : i32
    %eq3A_140 = vector.broadcast %eq3A_139 : i32 to vector<2048x4xi32>
    %eq3A_141 = arith.cmpi eq, %iota3A_114, %eq3A_140 : vector<2048x4xi32>
    %get3A_142 = arith.constant 0 : index
    %get3A_143 = arith.constant 0 : index
    %get3A_144 = vector.load %arg6[%get3A_142, %get3A_143] : memref<2048x4xf32, #tpu.memory_space<vmem>>, vector<2048x4xf32>
    %jit3A_145 = arith.constant 0.000000e+00 : f32
    %broadcast_in_dim3A_146 = vector.broadcast %jit3A_145 : f32 to vector<2048x4xf32>
    %select_n3A_147 = arith.select %eq3A_141, %get3A_144, %broadcast_in_dim3A_146 : vector<2048x4xi1>, vector<2048x4xf32>
    %reduce_sum3A_148 = arith.constant dense<0.000000e+00> : vector<2048xf32>
    %reduce_sum3A_149 = vector.multi_reduction <add>, %select_n3A_147, %reduce_sum3A_148 [1] : vector<2048x4xf32> to vector<2048xf32>
    %broadcast_in_dim3A_150 = vector.shape_cast %reduce_sum3A_149 : vector<2048xf32> to vector<2048x1xf32>
    %eq3A_151 = arith.constant 3 : i32
    %eq3A_152 = vector.broadcast %eq3A_151 : i32 to vector<2048x4xi32>
    %eq3A_153 = arith.cmpi eq, %iota3A_114, %eq3A_152 : vector<2048x4xi32>
    %get3A_154 = arith.constant 0 : index
    %get3A_155 = arith.constant 0 : index
    %get3A_156 = vector.load %arg6[%get3A_154, %get3A_155] : memref<2048x4xf32, #tpu.memory_space<vmem>>, vector<2048x4xf32>
    %jit3A_157 = arith.constant 0.000000e+00 : f32
    %broadcast_in_dim3A_158 = vector.broadcast %jit3A_157 : f32 to vector<2048x4xf32>
    %select_n3A_159 = arith.select %eq3A_153, %get3A_156, %broadcast_in_dim3A_158 : vector<2048x4xi1>, vector<2048x4xf32>
    %reduce_sum3A_160 = arith.constant dense<0.000000e+00> : vector<2048xf32>
    %reduce_sum3A_161 = vector.multi_reduction <add>, %select_n3A_159, %reduce_sum3A_160 [1] : vector<2048x4xf32> to vector<2048xf32>
    %broadcast_in_dim3A_162 = vector.shape_cast %reduce_sum3A_161 : vector<2048xf32> to vector<2048x1xf32>
    %mul3A = arith.constant 5.000000e-01 : f32
    %mul3A_163 = vector.broadcast %mul3A : f32 to vector<2048x1xf32>
    %mul3A_164 = arith.mulf %mul3A_163, %broadcast_in_dim3A_100 : vector<2048x1xf32>
    %sub3A = arith.subf %broadcast_in_dim3A_74, %mul3A_164 : vector<2048x1xf32>
    %mul3A_165 = arith.constant 5.000000e-01 : f32
    %mul3A_166 = vector.broadcast %mul3A_165 : f32 to vector<2048x1xf32>
    %mul3A_167 = arith.mulf %mul3A_166, %broadcast_in_dim3A_113 : vector<2048x1xf32>
    %sub3A_168 = arith.subf %broadcast_in_dim3A_87, %mul3A_167 : vector<2048x1xf32>
    %mul3A_169 = arith.constant 5.000000e-01 : f32
    %mul3A_170 = vector.broadcast %mul3A_169 : f32 to vector<2048x1xf32>
    %mul3A_171 = arith.mulf %mul3A_170, %broadcast_in_dim3A_100 : vector<2048x1xf32>
    %add3A_172 = arith.addf %broadcast_in_dim3A_74, %mul3A_171 : vector<2048x1xf32>
    %mul3A_173 = arith.constant 5.000000e-01 : f32
    %mul3A_174 = vector.broadcast %mul3A_173 : f32 to vector<2048x1xf32>
    %mul3A_175 = arith.mulf %mul3A_174, %broadcast_in_dim3A_113 : vector<2048x1xf32>
    %add3A_176 = arith.addf %broadcast_in_dim3A_87, %mul3A_175 : vector<2048x1xf32>
    %mul3A_177 = arith.constant 5.000000e-01 : f32
    %mul3A_178 = vector.broadcast %mul3A_177 : f32 to vector<2048x1xf32>
    %mul3A_179 = arith.mulf %mul3A_178, %broadcast_in_dim3A_150 : vector<2048x1xf32>
    %sub3A_180 = arith.subf %broadcast_in_dim3A_126, %mul3A_179 : vector<2048x1xf32>
    %mul3A_181 = arith.constant 5.000000e-01 : f32
    %mul3A_182 = vector.broadcast %mul3A_181 : f32 to vector<2048x1xf32>
    %mul3A_183 = arith.mulf %mul3A_182, %broadcast_in_dim3A_162 : vector<2048x1xf32>
    %sub3A_184 = arith.subf %broadcast_in_dim3A_138, %mul3A_183 : vector<2048x1xf32>
    %mul3A_185 = arith.constant 5.000000e-01 : f32
    %mul3A_186 = vector.broadcast %mul3A_185 : f32 to vector<2048x1xf32>
    %mul3A_187 = arith.mulf %mul3A_186, %broadcast_in_dim3A_150 : vector<2048x1xf32>
    %add3A_188 = arith.addf %broadcast_in_dim3A_126, %mul3A_187 : vector<2048x1xf32>
    %mul3A_189 = arith.constant 5.000000e-01 : f32
    %mul3A_190 = vector.broadcast %mul3A_189 : f32 to vector<2048x1xf32>
    %mul3A_191 = arith.mulf %mul3A_190, %broadcast_in_dim3A_162 : vector<2048x1xf32>
    %add3A_192 = arith.addf %broadcast_in_dim3A_138, %mul3A_191 : vector<2048x1xf32>
    %min3A = arith.minimumf %add3A_172, %add3A_188 : vector<2048x1xf32>
    %max3A = arith.maximumf %sub3A, %sub3A_180 : vector<2048x1xf32>
    %sub3A_193 = arith.subf %min3A, %max3A : vector<2048x1xf32>
    %max3A_194 = arith.constant 0.000000e+00 : f32
    %max3A_195 = vector.broadcast %max3A_194 : f32 to vector<2048x1xf32>
    %max3A_196 = arith.maximumf %sub3A_193, %max3A_195 : vector<2048x1xf32>
    %min3A_197 = arith.minimumf %add3A_176, %add3A_192 : vector<2048x1xf32>
    %max3A_198 = arith.maximumf %sub3A_168, %sub3A_184 : vector<2048x1xf32>
    %sub3A_199 = arith.subf %min3A_197, %max3A_198 : vector<2048x1xf32>
    %max3A_200 = arith.constant 0.000000e+00 : f32
    %max3A_201 = vector.broadcast %max3A_200 : f32 to vector<2048x1xf32>
    %max3A_202 = arith.maximumf %sub3A_199, %max3A_201 : vector<2048x1xf32>
    %mul3A_203 = arith.mulf %max3A_196, %max3A_202 : vector<2048x1xf32>
    %sub3A_204 = arith.subf %add3A_172, %sub3A : vector<2048x1xf32>
    %max3A_205 = arith.constant 0.000000e+00 : f32
    %max3A_206 = vector.broadcast %max3A_205 : f32 to vector<2048x1xf32>
    %max3A_207 = arith.maximumf %sub3A_204, %max3A_206 : vector<2048x1xf32>
    %sub3A_208 = arith.subf %add3A_176, %sub3A_168 : vector<2048x1xf32>
    %max3A_209 = arith.constant 0.000000e+00 : f32
    %max3A_210 = vector.broadcast %max3A_209 : f32 to vector<2048x1xf32>
    %max3A_211 = arith.maximumf %sub3A_208, %max3A_210 : vector<2048x1xf32>
    %mul3A_212 = arith.mulf %max3A_207, %max3A_211 : vector<2048x1xf32>
    %sub3A_213 = arith.subf %add3A_188, %sub3A_180 : vector<2048x1xf32>
    %max3A_214 = arith.constant 0.000000e+00 : f32
    %max3A_215 = vector.broadcast %max3A_214 : f32 to vector<2048x1xf32>
    %max3A_216 = arith.maximumf %sub3A_213, %max3A_215 : vector<2048x1xf32>
    %sub3A_217 = arith.subf %add3A_192, %sub3A_184 : vector<2048x1xf32>
    %max3A_218 = arith.constant 0.000000e+00 : f32
    %max3A_219 = vector.broadcast %max3A_218 : f32 to vector<2048x1xf32>
    %max3A_220 = arith.maximumf %sub3A_217, %max3A_219 : vector<2048x1xf32>
    %mul3A_221 = arith.mulf %max3A_216, %max3A_220 : vector<2048x1xf32>
    %add3A_222 = arith.addf %mul3A_212, %mul3A_221 : vector<2048x1xf32>
    %sub3A_223 = arith.subf %add3A_222, %mul3A_203 : vector<2048x1xf32>
    %add3A_224 = arith.constant 1.000000e-07 : f32
    %add3A_225 = vector.broadcast %add3A_224 : f32 to vector<2048x1xf32>
    %add3A_226 = arith.addf %sub3A_223, %add3A_225 : vector<2048x1xf32>
    %div3A = arith.divf %mul3A_203, %add3A_226 : vector<2048x1xf32>
    %max3A_227 = arith.maximumf %add3A_172, %add3A_188 : vector<2048x1xf32>
    %min3A_228 = arith.minimumf %sub3A, %sub3A_180 : vector<2048x1xf32>
    %sub3A_229 = arith.subf %max3A_227, %min3A_228 : vector<2048x1xf32>
    %max3A_230 = arith.constant 0.000000e+00 : f32
    %max3A_231 = vector.broadcast %max3A_230 : f32 to vector<2048x1xf32>
    %max3A_232 = arith.maximumf %sub3A_229, %max3A_231 : vector<2048x1xf32>
    %max3A_233 = arith.maximumf %add3A_176, %add3A_192 : vector<2048x1xf32>
    %min3A_234 = arith.minimumf %sub3A_168, %sub3A_184 : vector<2048x1xf32>
    %sub3A_235 = arith.subf %max3A_233, %min3A_234 : vector<2048x1xf32>
    %max3A_236 = arith.constant 0.000000e+00 : f32
    %max3A_237 = vector.broadcast %max3A_236 : f32 to vector<2048x1xf32>
    %max3A_238 = arith.maximumf %sub3A_235, %max3A_237 : vector<2048x1xf32>
    %mul3A_239 = arith.mulf %max3A_232, %max3A_238 : vector<2048x1xf32>
    %sub3A_240 = arith.subf %mul3A_239, %sub3A_223 : vector<2048x1xf32>
    %add3A_241 = arith.constant 1.000000e-07 : f32
    %add3A_242 = vector.broadcast %add3A_241 : f32 to vector<2048x1xf32>
    %add3A_243 = arith.addf %mul3A_239, %add3A_242 : vector<2048x1xf32>
    %div3A_244 = arith.divf %sub3A_240, %add3A_243 : vector<2048x1xf32>
    %sub3A_245 = arith.subf %div3A, %div3A_244 : vector<2048x1xf32>
    %sub3A_246 = arith.constant 1.000000e+00 : f32
    %sub3A_247 = vector.broadcast %sub3A_246 : f32 to vector<2048x1xf32>
    %sub3A_248 = arith.subf %sub3A_247, %sub3A_245 : vector<2048x1xf32>
    %get3A_249 = arith.constant 0 : index
    %get3A_250 = arith.constant 0 : index
    %get3A_251 = vector.load %arg2[%get3A_249, %get3A_250] : memref<2048x68xf32, #tpu.memory_space<vmem>>, vector<2048x68xf32>
    %iota3A_252 = tpu.iota {dimensions = array<i32: 1>} : vector<2048x68xi32>
    %broadcast_in_dim3A_253 = arith.constant 0.000000e+00 : f32
    %broadcast_in_dim3A_254 = vector.broadcast %broadcast_in_dim3A_253 : f32 to vector<2048x1xf32>
    %ge3A = arith.constant 0 : i32
    %ge3A_255 = vector.broadcast %ge3A : i32 to vector<2048x68xi32>
    %ge3A_256 = arith.cmpi sge, %iota3A_252, %ge3A_255 : vector<2048x68xi32>
    %lt3A_257 = arith.constant 17 : i32
    %lt3A_258 = vector.broadcast %lt3A_257 : i32 to vector<2048x68xi32>
    %lt3A_259 = arith.cmpi slt, %iota3A_252, %lt3A_258 : vector<2048x68xi32>
    %and3A_260 = arith.andi %ge3A_256, %lt3A_259 : vector<2048x68xi1>
    %mul3A_261 = arith.constant 1.600000e+01 : f32
    %mul3A_262 = vector.broadcast %mul3A_261 : f32 to vector<2048x1xf32>
    %mul3A_263 = arith.mulf %broadcast_in_dim3A_126, %mul3A_262 : vector<2048x1xf32>
    %jit3A_264 = arith.constant 0.000000e+00 : f32
    %jit3A_265 = arith.constant 1.599990e+01 : f32
    %max3A_266 = vector.broadcast %jit3A_264 : f32 to vector<2048x1xf32>
    %max3A_267 = arith.maximumf %max3A_266, %mul3A_263 : vector<2048x1xf32>
    %min3A_268 = vector.broadcast %jit3A_265 : f32 to vector<2048x1xf32>
    %min3A_269 = arith.minimumf %min3A_268, %max3A_267 : vector<2048x1xf32>
    %floor3A = math.floor %min3A_269 : vector<2048x1xf32>
    %convert_element_type3A = arith.fptosi %floor3A : vector<2048x1xf32> to vector<2048x1xi32>
    %add3A_270 = arith.constant 1.000000e+00 : f32
    %add3A_271 = vector.broadcast %add3A_270 : f32 to vector<2048x1xf32>
    %add3A_272 = arith.addf %floor3A, %add3A_271 : vector<2048x1xf32>
    %sub3A_273 = arith.subf %add3A_272, %min3A_269 : vector<2048x1xf32>
    %sub3A_274 = arith.subf %min3A_269, %floor3A : vector<2048x1xf32>
    %jit3A_275 = arith.constant -1.000000e+30 : f32
    %broadcast_in_dim3A_276 = vector.broadcast %jit3A_275 : f32 to vector<2048x68xf32>
    %select_n3A_277 = arith.select %and3A_260, %get3A_251, %broadcast_in_dim3A_276 : vector<2048x68xi1>, vector<2048x68xf32>
    %reduce_max3A = arith.constant dense<0xFF800000> : vector<2048xf32>
    %reduce_max3A_278 = vector.multi_reduction <maximumf>, %select_n3A_277, %reduce_max3A [1] : vector<2048x68xf32> to vector<2048xf32>
    %broadcast_in_dim3A_279 = vector.shape_cast %reduce_max3A_278 : vector<2048xf32> to vector<2048x1xf32>
    %sub3A_280 = vector.broadcast %broadcast_in_dim3A_279 : vector<2048x1xf32> to vector<2048x68xf32>
    %sub3A_281 = arith.subf %get3A_251, %sub3A_280 : vector<2048x68xf32>
    %exp3A = math.exp %sub3A_281 : vector<2048x68xf32>
    %jit3A_282 = arith.constant 0.000000e+00 : f32
    %broadcast_in_dim3A_283 = vector.broadcast %jit3A_282 : f32 to vector<2048x68xf32>
    %select_n3A_284 = arith.select %and3A_260, %exp3A, %broadcast_in_dim3A_283 : vector<2048x68xi1>, vector<2048x68xf32>
    %reduce_sum3A_285 = arith.constant dense<0.000000e+00> : vector<2048xf32>
    %reduce_sum3A_286 = vector.multi_reduction <add>, %select_n3A_284, %reduce_sum3A_285 [1] : vector<2048x68xf32> to vector<2048xf32>
    %broadcast_in_dim3A_287 = vector.shape_cast %reduce_sum3A_286 : vector<2048xf32> to vector<2048x1xf32>
    %log3A = math.log %broadcast_in_dim3A_287 : vector<2048x1xf32>
    %add3A_288 = arith.addf %log3A, %broadcast_in_dim3A_279 : vector<2048x1xf32>
    %add3A_289 = arith.constant 0 : i32
    %add3A_290 = vector.broadcast %add3A_289 : i32 to vector<2048x1xi32>
    %add3A_291 = arith.addi %add3A_290, %convert_element_type3A : vector<2048x1xi32>
    %eq3A_292 = vector.broadcast %add3A_291 : vector<2048x1xi32> to vector<2048x68xi32>
    %eq3A_293 = arith.cmpi eq, %iota3A_252, %eq3A_292 : vector<2048x68xi32>
    %jit3A_294 = arith.constant 0.000000e+00 : f32
    %broadcast_in_dim3A_295 = vector.broadcast %jit3A_294 : f32 to vector<2048x68xf32>
    %select_n3A_296 = arith.select %eq3A_293, %get3A_251, %broadcast_in_dim3A_295 : vector<2048x68xi1>, vector<2048x68xf32>
    %reduce_sum3A_297 = arith.constant dense<0.000000e+00> : vector<2048xf32>
    %reduce_sum3A_298 = vector.multi_reduction <add>, %select_n3A_296, %reduce_sum3A_297 [1] : vector<2048x68xf32> to vector<2048xf32>
    %broadcast_in_dim3A_299 = vector.shape_cast %reduce_sum3A_298 : vector<2048xf32> to vector<2048x1xf32>
    %add3A_300 = arith.constant 0 : i32
    %add3A_301 = vector.broadcast %add3A_300 : i32 to vector<2048x1xi32>
    %add3A_302 = arith.addi %add3A_301, %convert_element_type3A : vector<2048x1xi32>
    %add3A_303 = arith.constant 1 : i32
    %add3A_304 = vector.broadcast %add3A_303 : i32 to vector<2048x1xi32>
    %add3A_305 = arith.addi %add3A_302, %add3A_304 : vector<2048x1xi32>
    %eq3A_306 = vector.broadcast %add3A_305 : vector<2048x1xi32> to vector<2048x68xi32>
    %eq3A_307 = arith.cmpi eq, %iota3A_252, %eq3A_306 : vector<2048x68xi32>
    %jit3A_308 = arith.constant 0.000000e+00 : f32
    %broadcast_in_dim3A_309 = vector.broadcast %jit3A_308 : f32 to vector<2048x68xf32>
    %select_n3A_310 = arith.select %eq3A_307, %get3A_251, %broadcast_in_dim3A_309 : vector<2048x68xi1>, vector<2048x68xf32>
    %reduce_sum3A_311 = arith.constant dense<0.000000e+00> : vector<2048xf32>
    %reduce_sum3A_312 = vector.multi_reduction <add>, %select_n3A_310, %reduce_sum3A_311 [1] : vector<2048x68xf32> to vector<2048xf32>
    %broadcast_in_dim3A_313 = vector.shape_cast %reduce_sum3A_312 : vector<2048xf32> to vector<2048x1xf32>
    %sub3A_314 = arith.subf %add3A_288, %broadcast_in_dim3A_299 : vector<2048x1xf32>
    %mul3A_315 = arith.mulf %sub3A_314, %sub3A_273 : vector<2048x1xf32>
    %sub3A_316 = arith.subf %add3A_288, %broadcast_in_dim3A_313 : vector<2048x1xf32>
    %mul3A_317 = arith.mulf %sub3A_316, %sub3A_274 : vector<2048x1xf32>
    %add3A_318 = arith.addf %mul3A_315, %mul3A_317 : vector<2048x1xf32>
    %add3A_319 = arith.addf %broadcast_in_dim3A_254, %add3A_318 : vector<2048x1xf32>
    %ge3A_320 = arith.constant 17 : i32
    %ge3A_321 = vector.broadcast %ge3A_320 : i32 to vector<2048x68xi32>
    %ge3A_322 = arith.cmpi sge, %iota3A_252, %ge3A_321 : vector<2048x68xi32>
    %lt3A_323 = arith.constant 34 : i32
    %lt3A_324 = vector.broadcast %lt3A_323 : i32 to vector<2048x68xi32>
    %lt3A_325 = arith.cmpi slt, %iota3A_252, %lt3A_324 : vector<2048x68xi32>
    %and3A_326 = arith.andi %ge3A_322, %lt3A_325 : vector<2048x68xi1>
    %mul3A_327 = arith.constant 1.600000e+01 : f32
    %mul3A_328 = vector.broadcast %mul3A_327 : f32 to vector<2048x1xf32>
    %mul3A_329 = arith.mulf %broadcast_in_dim3A_138, %mul3A_328 : vector<2048x1xf32>
    %jit3A_330 = arith.constant 0.000000e+00 : f32
    %jit3A_331 = arith.constant 1.599990e+01 : f32
    %max3A_332 = vector.broadcast %jit3A_330 : f32 to vector<2048x1xf32>
    %max3A_333 = arith.maximumf %max3A_332, %mul3A_329 : vector<2048x1xf32>
    %min3A_334 = vector.broadcast %jit3A_331 : f32 to vector<2048x1xf32>
    %min3A_335 = arith.minimumf %min3A_334, %max3A_333 : vector<2048x1xf32>
    %floor3A_336 = math.floor %min3A_335 : vector<2048x1xf32>
    %convert_element_type3A_337 = arith.fptosi %floor3A_336 : vector<2048x1xf32> to vector<2048x1xi32>
    %add3A_338 = arith.constant 1.000000e+00 : f32
    %add3A_339 = vector.broadcast %add3A_338 : f32 to vector<2048x1xf32>
    %add3A_340 = arith.addf %floor3A_336, %add3A_339 : vector<2048x1xf32>
    %sub3A_341 = arith.subf %add3A_340, %min3A_335 : vector<2048x1xf32>
    %sub3A_342 = arith.subf %min3A_335, %floor3A_336 : vector<2048x1xf32>
    %jit3A_343 = arith.constant -1.000000e+30 : f32
    %broadcast_in_dim3A_344 = vector.broadcast %jit3A_343 : f32 to vector<2048x68xf32>
    %select_n3A_345 = arith.select %and3A_326, %get3A_251, %broadcast_in_dim3A_344 : vector<2048x68xi1>, vector<2048x68xf32>
    %reduce_max3A_346 = arith.constant dense<0xFF800000> : vector<2048xf32>
    %reduce_max3A_347 = vector.multi_reduction <maximumf>, %select_n3A_345, %reduce_max3A_346 [1] : vector<2048x68xf32> to vector<2048xf32>
    %broadcast_in_dim3A_348 = vector.shape_cast %reduce_max3A_347 : vector<2048xf32> to vector<2048x1xf32>
    %sub3A_349 = vector.broadcast %broadcast_in_dim3A_348 : vector<2048x1xf32> to vector<2048x68xf32>
    %sub3A_350 = arith.subf %get3A_251, %sub3A_349 : vector<2048x68xf32>
    %exp3A_351 = math.exp %sub3A_350 : vector<2048x68xf32>
    %jit3A_352 = arith.constant 0.000000e+00 : f32
    %broadcast_in_dim3A_353 = vector.broadcast %jit3A_352 : f32 to vector<2048x68xf32>
    %select_n3A_354 = arith.select %and3A_326, %exp3A_351, %broadcast_in_dim3A_353 : vector<2048x68xi1>, vector<2048x68xf32>
    %reduce_sum3A_355 = arith.constant dense<0.000000e+00> : vector<2048xf32>
    %reduce_sum3A_356 = vector.multi_reduction <add>, %select_n3A_354, %reduce_sum3A_355 [1] : vector<2048x68xf32> to vector<2048xf32>
    %broadcast_in_dim3A_357 = vector.shape_cast %reduce_sum3A_356 : vector<2048xf32> to vector<2048x1xf32>
    %log3A_358 = math.log %broadcast_in_dim3A_357 : vector<2048x1xf32>
    %add3A_359 = arith.addf %log3A_358, %broadcast_in_dim3A_348 : vector<2048x1xf32>
    %add3A_360 = arith.constant 17 : i32
    %add3A_361 = vector.broadcast %add3A_360 : i32 to vector<2048x1xi32>
    %add3A_362 = arith.addi %add3A_361, %convert_element_type3A_337 : vector<2048x1xi32>
    %eq3A_363 = vector.broadcast %add3A_362 : vector<2048x1xi32> to vector<2048x68xi32>
    %eq3A_364 = arith.cmpi eq, %iota3A_252, %eq3A_363 : vector<2048x68xi32>
    %jit3A_365 = arith.constant 0.000000e+00 : f32
    %broadcast_in_dim3A_366 = vector.broadcast %jit3A_365 : f32 to vector<2048x68xf32>
    %select_n3A_367 = arith.select %eq3A_364, %get3A_251, %broadcast_in_dim3A_366 : vector<2048x68xi1>, vector<2048x68xf32>
    %reduce_sum3A_368 = arith.constant dense<0.000000e+00> : vector<2048xf32>
    %reduce_sum3A_369 = vector.multi_reduction <add>, %select_n3A_367, %reduce_sum3A_368 [1] : vector<2048x68xf32> to vector<2048xf32>
    %broadcast_in_dim3A_370 = vector.shape_cast %reduce_sum3A_369 : vector<2048xf32> to vector<2048x1xf32>
    %add3A_371 = arith.constant 17 : i32
    %add3A_372 = vector.broadcast %add3A_371 : i32 to vector<2048x1xi32>
    %add3A_373 = arith.addi %add3A_372, %convert_element_type3A_337 : vector<2048x1xi32>
    %add3A_374 = arith.constant 1 : i32
    %add3A_375 = vector.broadcast %add3A_374 : i32 to vector<2048x1xi32>
    %add3A_376 = arith.addi %add3A_373, %add3A_375 : vector<2048x1xi32>
    %eq3A_377 = vector.broadcast %add3A_376 : vector<2048x1xi32> to vector<2048x68xi32>
    %eq3A_378 = arith.cmpi eq, %iota3A_252, %eq3A_377 : vector<2048x68xi32>
    %jit3A_379 = arith.constant 0.000000e+00 : f32
    %broadcast_in_dim3A_380 = vector.broadcast %jit3A_379 : f32 to vector<2048x68xf32>
    %select_n3A_381 = arith.select %eq3A_378, %get3A_251, %broadcast_in_dim3A_380 : vector<2048x68xi1>, vector<2048x68xf32>
    %reduce_sum3A_382 = arith.constant dense<0.000000e+00> : vector<2048xf32>
    %reduce_sum3A_383 = vector.multi_reduction <add>, %select_n3A_381, %reduce_sum3A_382 [1] : vector<2048x68xf32> to vector<2048xf32>
    %broadcast_in_dim3A_384 = vector.shape_cast %reduce_sum3A_383 : vector<2048xf32> to vector<2048x1xf32>
    %sub3A_385 = arith.subf %add3A_359, %broadcast_in_dim3A_370 : vector<2048x1xf32>
    %mul3A_386 = arith.mulf %sub3A_385, %sub3A_341 : vector<2048x1xf32>
    %sub3A_387 = arith.subf %add3A_359, %broadcast_in_dim3A_384 : vector<2048x1xf32>
    %mul3A_388 = arith.mulf %sub3A_387, %sub3A_342 : vector<2048x1xf32>
    %add3A_389 = arith.addf %mul3A_386, %mul3A_388 : vector<2048x1xf32>
    %add3A_390 = arith.addf %add3A_319, %add3A_389 : vector<2048x1xf32>
    %ge3A_391 = arith.constant 34 : i32
    %ge3A_392 = vector.broadcast %ge3A_391 : i32 to vector<2048x68xi32>
    %ge3A_393 = arith.cmpi sge, %iota3A_252, %ge3A_392 : vector<2048x68xi32>
    %lt3A_394 = arith.constant 51 : i32
    %lt3A_395 = vector.broadcast %lt3A_394 : i32 to vector<2048x68xi32>
    %lt3A_396 = arith.cmpi slt, %iota3A_252, %lt3A_395 : vector<2048x68xi32>
    %and3A_397 = arith.andi %ge3A_393, %lt3A_396 : vector<2048x68xi1>
    %mul3A_398 = arith.constant 1.600000e+01 : f32
    %mul3A_399 = vector.broadcast %mul3A_398 : f32 to vector<2048x1xf32>
    %mul3A_400 = arith.mulf %broadcast_in_dim3A_150, %mul3A_399 : vector<2048x1xf32>
    %jit3A_401 = arith.constant 0.000000e+00 : f32
    %jit3A_402 = arith.constant 1.599990e+01 : f32
    %max3A_403 = vector.broadcast %jit3A_401 : f32 to vector<2048x1xf32>
    %max3A_404 = arith.maximumf %max3A_403, %mul3A_400 : vector<2048x1xf32>
    %min3A_405 = vector.broadcast %jit3A_402 : f32 to vector<2048x1xf32>
    %min3A_406 = arith.minimumf %min3A_405, %max3A_404 : vector<2048x1xf32>
    %floor3A_407 = math.floor %min3A_406 : vector<2048x1xf32>
    %convert_element_type3A_408 = arith.fptosi %floor3A_407 : vector<2048x1xf32> to vector<2048x1xi32>
    %add3A_409 = arith.constant 1.000000e+00 : f32
    %add3A_410 = vector.broadcast %add3A_409 : f32 to vector<2048x1xf32>
    %add3A_411 = arith.addf %floor3A_407, %add3A_410 : vector<2048x1xf32>
    %sub3A_412 = arith.subf %add3A_411, %min3A_406 : vector<2048x1xf32>
    %sub3A_413 = arith.subf %min3A_406, %floor3A_407 : vector<2048x1xf32>
    %jit3A_414 = arith.constant -1.000000e+30 : f32
    %broadcast_in_dim3A_415 = vector.broadcast %jit3A_414 : f32 to vector<2048x68xf32>
    %select_n3A_416 = arith.select %and3A_397, %get3A_251, %broadcast_in_dim3A_415 : vector<2048x68xi1>, vector<2048x68xf32>
    %reduce_max3A_417 = arith.constant dense<0xFF800000> : vector<2048xf32>
    %reduce_max3A_418 = vector.multi_reduction <maximumf>, %select_n3A_416, %reduce_max3A_417 [1] : vector<2048x68xf32> to vector<2048xf32>
    %broadcast_in_dim3A_419 = vector.shape_cast %reduce_max3A_418 : vector<2048xf32> to vector<2048x1xf32>
    %sub3A_420 = vector.broadcast %broadcast_in_dim3A_419 : vector<2048x1xf32> to vector<2048x68xf32>
    %sub3A_421 = arith.subf %get3A_251, %sub3A_420 : vector<2048x68xf32>
    %exp3A_422 = math.exp %sub3A_421 : vector<2048x68xf32>
    %jit3A_423 = arith.constant 0.000000e+00 : f32
    %broadcast_in_dim3A_424 = vector.broadcast %jit3A_423 : f32 to vector<2048x68xf32>
    %select_n3A_425 = arith.select %and3A_397, %exp3A_422, %broadcast_in_dim3A_424 : vector<2048x68xi1>, vector<2048x68xf32>
    %reduce_sum3A_426 = arith.constant dense<0.000000e+00> : vector<2048xf32>
    %reduce_sum3A_427 = vector.multi_reduction <add>, %select_n3A_425, %reduce_sum3A_426 [1] : vector<2048x68xf32> to vector<2048xf32>
    %broadcast_in_dim3A_428 = vector.shape_cast %reduce_sum3A_427 : vector<2048xf32> to vector<2048x1xf32>
    %log3A_429 = math.log %broadcast_in_dim3A_428 : vector<2048x1xf32>
    %add3A_430 = arith.addf %log3A_429, %broadcast_in_dim3A_419 : vector<2048x1xf32>
    %add3A_431 = arith.constant 34 : i32
    %add3A_432 = vector.broadcast %add3A_431 : i32 to vector<2048x1xi32>
    %add3A_433 = arith.addi %add3A_432, %convert_element_type3A_408 : vector<2048x1xi32>
    %eq3A_434 = vector.broadcast %add3A_433 : vector<2048x1xi32> to vector<2048x68xi32>
    %eq3A_435 = arith.cmpi eq, %iota3A_252, %eq3A_434 : vector<2048x68xi32>
    %jit3A_436 = arith.constant 0.000000e+00 : f32
    %broadcast_in_dim3A_437 = vector.broadcast %jit3A_436 : f32 to vector<2048x68xf32>
    %select_n3A_438 = arith.select %eq3A_435, %get3A_251, %broadcast_in_dim3A_437 : vector<2048x68xi1>, vector<2048x68xf32>
    %reduce_sum3A_439 = arith.constant dense<0.000000e+00> : vector<2048xf32>
    %reduce_sum3A_440 = vector.multi_reduction <add>, %select_n3A_438, %reduce_sum3A_439 [1] : vector<2048x68xf32> to vector<2048xf32>
    %broadcast_in_dim3A_441 = vector.shape_cast %reduce_sum3A_440 : vector<2048xf32> to vector<2048x1xf32>
    %add3A_442 = arith.constant 34 : i32
    %add3A_443 = vector.broadcast %add3A_442 : i32 to vector<2048x1xi32>
    %add3A_444 = arith.addi %add3A_443, %convert_element_type3A_408 : vector<2048x1xi32>
    %add3A_445 = arith.constant 1 : i32
    %add3A_446 = vector.broadcast %add3A_445 : i32 to vector<2048x1xi32>
    %add3A_447 = arith.addi %add3A_444, %add3A_446 : vector<2048x1xi32>
    %eq3A_448 = vector.broadcast %add3A_447 : vector<2048x1xi32> to vector<2048x68xi32>
    %eq3A_449 = arith.cmpi eq, %iota3A_252, %eq3A_448 : vector<2048x68xi32>
    %jit3A_450 = arith.constant 0.000000e+00 : f32
    %broadcast_in_dim3A_451 = vector.broadcast %jit3A_450 : f32 to vector<2048x68xf32>
    %select_n3A_452 = arith.select %eq3A_449, %get3A_251, %broadcast_in_dim3A_451 : vector<2048x68xi1>, vector<2048x68xf32>
    %reduce_sum3A_453 = arith.constant dense<0.000000e+00> : vector<2048xf32>
    %reduce_sum3A_454 = vector.multi_reduction <add>, %select_n3A_452, %reduce_sum3A_453 [1] : vector<2048x68xf32> to vector<2048xf32>
    %broadcast_in_dim3A_455 = vector.shape_cast %reduce_sum3A_454 : vector<2048xf32> to vector<2048x1xf32>
    %sub3A_456 = arith.subf %add3A_430, %broadcast_in_dim3A_441 : vector<2048x1xf32>
    %mul3A_457 = arith.mulf %sub3A_456, %sub3A_412 : vector<2048x1xf32>
    %sub3A_458 = arith.subf %add3A_430, %broadcast_in_dim3A_455 : vector<2048x1xf32>
    %mul3A_459 = arith.mulf %sub3A_458, %sub3A_413 : vector<2048x1xf32>
    %add3A_460 = arith.addf %mul3A_457, %mul3A_459 : vector<2048x1xf32>
    %add3A_461 = arith.addf %add3A_390, %add3A_460 : vector<2048x1xf32>
    %ge3A_462 = arith.constant 51 : i32
    %ge3A_463 = vector.broadcast %ge3A_462 : i32 to vector<2048x68xi32>
    %ge3A_464 = arith.cmpi sge, %iota3A_252, %ge3A_463 : vector<2048x68xi32>
    %lt3A_465 = arith.constant 68 : i32
    %lt3A_466 = vector.broadcast %lt3A_465 : i32 to vector<2048x68xi32>
    %lt3A_467 = arith.cmpi slt, %iota3A_252, %lt3A_466 : vector<2048x68xi32>
    %and3A_468 = arith.andi %ge3A_464, %lt3A_467 : vector<2048x68xi1>
    %mul3A_469 = arith.constant 1.600000e+01 : f32
    %mul3A_470 = vector.broadcast %mul3A_469 : f32 to vector<2048x1xf32>
    %mul3A_471 = arith.mulf %broadcast_in_dim3A_162, %mul3A_470 : vector<2048x1xf32>
    %jit3A_472 = arith.constant 0.000000e+00 : f32
    %jit3A_473 = arith.constant 1.599990e+01 : f32
    %max3A_474 = vector.broadcast %jit3A_472 : f32 to vector<2048x1xf32>
    %max3A_475 = arith.maximumf %max3A_474, %mul3A_471 : vector<2048x1xf32>
    %min3A_476 = vector.broadcast %jit3A_473 : f32 to vector<2048x1xf32>
    %min3A_477 = arith.minimumf %min3A_476, %max3A_475 : vector<2048x1xf32>
    %floor3A_478 = math.floor %min3A_477 : vector<2048x1xf32>
    %convert_element_type3A_479 = arith.fptosi %floor3A_478 : vector<2048x1xf32> to vector<2048x1xi32>
    %add3A_480 = arith.constant 1.000000e+00 : f32
    %add3A_481 = vector.broadcast %add3A_480 : f32 to vector<2048x1xf32>
    %add3A_482 = arith.addf %floor3A_478, %add3A_481 : vector<2048x1xf32>
    %sub3A_483 = arith.subf %add3A_482, %min3A_477 : vector<2048x1xf32>
    %sub3A_484 = arith.subf %min3A_477, %floor3A_478 : vector<2048x1xf32>
    %jit3A_485 = arith.constant -1.000000e+30 : f32
    %broadcast_in_dim3A_486 = vector.broadcast %jit3A_485 : f32 to vector<2048x68xf32>
    %select_n3A_487 = arith.select %and3A_468, %get3A_251, %broadcast_in_dim3A_486 : vector<2048x68xi1>, vector<2048x68xf32>
    %reduce_max3A_488 = arith.constant dense<0xFF800000> : vector<2048xf32>
    %reduce_max3A_489 = vector.multi_reduction <maximumf>, %select_n3A_487, %reduce_max3A_488 [1] : vector<2048x68xf32> to vector<2048xf32>
    %broadcast_in_dim3A_490 = vector.shape_cast %reduce_max3A_489 : vector<2048xf32> to vector<2048x1xf32>
    %sub3A_491 = vector.broadcast %broadcast_in_dim3A_490 : vector<2048x1xf32> to vector<2048x68xf32>
    %sub3A_492 = arith.subf %get3A_251, %sub3A_491 : vector<2048x68xf32>
    %exp3A_493 = math.exp %sub3A_492 : vector<2048x68xf32>
    %jit3A_494 = arith.constant 0.000000e+00 : f32
    %broadcast_in_dim3A_495 = vector.broadcast %jit3A_494 : f32 to vector<2048x68xf32>
    %select_n3A_496 = arith.select %and3A_468, %exp3A_493, %broadcast_in_dim3A_495 : vector<2048x68xi1>, vector<2048x68xf32>
    %reduce_sum3A_497 = arith.constant dense<0.000000e+00> : vector<2048xf32>
    %reduce_sum3A_498 = vector.multi_reduction <add>, %select_n3A_496, %reduce_sum3A_497 [1] : vector<2048x68xf32> to vector<2048xf32>
    %broadcast_in_dim3A_499 = vector.shape_cast %reduce_sum3A_498 : vector<2048xf32> to vector<2048x1xf32>
    %log3A_500 = math.log %broadcast_in_dim3A_499 : vector<2048x1xf32>
    %add3A_501 = arith.addf %log3A_500, %broadcast_in_dim3A_490 : vector<2048x1xf32>
    %add3A_502 = arith.constant 51 : i32
    %add3A_503 = vector.broadcast %add3A_502 : i32 to vector<2048x1xi32>
    %add3A_504 = arith.addi %add3A_503, %convert_element_type3A_479 : vector<2048x1xi32>
    %eq3A_505 = vector.broadcast %add3A_504 : vector<2048x1xi32> to vector<2048x68xi32>
    %eq3A_506 = arith.cmpi eq, %iota3A_252, %eq3A_505 : vector<2048x68xi32>
    %jit3A_507 = arith.constant 0.000000e+00 : f32
    %broadcast_in_dim3A_508 = vector.broadcast %jit3A_507 : f32 to vector<2048x68xf32>
    %select_n3A_509 = arith.select %eq3A_506, %get3A_251, %broadcast_in_dim3A_508 : vector<2048x68xi1>, vector<2048x68xf32>
    %reduce_sum3A_510 = arith.constant dense<0.000000e+00> : vector<2048xf32>
    %reduce_sum3A_511 = vector.multi_reduction <add>, %select_n3A_509, %reduce_sum3A_510 [1] : vector<2048x68xf32> to vector<2048xf32>
    %broadcast_in_dim3A_512 = vector.shape_cast %reduce_sum3A_511 : vector<2048xf32> to vector<2048x1xf32>
    %add3A_513 = arith.constant 51 : i32
    %add3A_514 = vector.broadcast %add3A_513 : i32 to vector<2048x1xi32>
    %add3A_515 = arith.addi %add3A_514, %convert_element_type3A_479 : vector<2048x1xi32>
    %add3A_516 = arith.constant 1 : i32
    %add3A_517 = vector.broadcast %add3A_516 : i32 to vector<2048x1xi32>
    %add3A_518 = arith.addi %add3A_515, %add3A_517 : vector<2048x1xi32>
    %eq3A_519 = vector.broadcast %add3A_518 : vector<2048x1xi32> to vector<2048x68xi32>
    %eq3A_520 = arith.cmpi eq, %iota3A_252, %eq3A_519 : vector<2048x68xi32>
    %jit3A_521 = arith.constant 0.000000e+00 : f32
    %broadcast_in_dim3A_522 = vector.broadcast %jit3A_521 : f32 to vector<2048x68xf32>
    %select_n3A_523 = arith.select %eq3A_520, %get3A_251, %broadcast_in_dim3A_522 : vector<2048x68xi1>, vector<2048x68xf32>
    %reduce_sum3A_524 = arith.constant dense<0.000000e+00> : vector<2048xf32>
    %reduce_sum3A_525 = vector.multi_reduction <add>, %select_n3A_523, %reduce_sum3A_524 [1] : vector<2048x68xf32> to vector<2048xf32>
    %broadcast_in_dim3A_526 = vector.shape_cast %reduce_sum3A_525 : vector<2048xf32> to vector<2048x1xf32>
    %sub3A_527 = arith.subf %add3A_501, %broadcast_in_dim3A_512 : vector<2048x1xf32>
    %mul3A_528 = arith.mulf %sub3A_527, %sub3A_483 : vector<2048x1xf32>
    %sub3A_529 = arith.subf %add3A_501, %broadcast_in_dim3A_526 : vector<2048x1xf32>
    %mul3A_530 = arith.mulf %sub3A_529, %sub3A_484 : vector<2048x1xf32>
    %add3A_531 = arith.addf %mul3A_528, %mul3A_530 : vector<2048x1xf32>
    %add3A_532 = arith.addf %add3A_461, %add3A_531 : vector<2048x1xf32>
    %swap3A = arith.constant 0 : index
    %swap3A_533 = arith.constant 0 : index
    %swap3A_534 = vector.load %arg7[%swap3A, %swap3A_533] : memref<2048x1xf32, #tpu.memory_space<vmem>>, vector<2048x1xf32>
    tpu.vector_store %arg7[%swap3A, %swap3A_533], %div3A {strides = array<i32>} : memref<2048x1xf32, #tpu.memory_space<vmem>>, vector<2048x1xf32>,
    %swap3A_535 = arith.constant 0 : index
    %swap3A_536 = arith.constant 0 : index
    %swap3A_537 = vector.load %arg8[%swap3A_535, %swap3A_536] : memref<2048x1xf32, #tpu.memory_space<vmem>>, vector<2048x1xf32>
    tpu.vector_store %arg8[%swap3A_535, %swap3A_536], %broadcast_in_dim3A_38 {strides = array<i32>} : memref<2048x1xf32, #tpu.memory_space<vmem>>, vector<2048x1xf32>,
    %reduce_sum3A_538 = vector.shape_cast %broadcast_in_dim3A_24 : vector<2048x1xf32> to vector<1x2048x1xf32>
    %reduce_sum3A_539 = arith.constant dense<0.000000e+00> : vector<1xf32>
    %reduce_sum3A_540 = vector.multi_reduction <add>, %reduce_sum3A_538, %reduce_sum3A_539 [1, 2] : vector<1x2048x1xf32> to vector<1xf32>
    %reduce_sum3A_541 = vector.shape_cast %reduce_sum3A_540 : vector<1xf32> to vector<1x1x1xf32>
    %reduce_sum3A_542 = vector.extract %reduce_sum3A_541[0, 0, 0] : f32 from vector<1x1x1xf32>
    %reshape3A = vector.broadcast %reduce_sum3A_542 : f32 to vector<1x1xf32>
    %mul3A_543 = arith.mulf %sub3A_248, %broadcast_in_dim3A_24 : vector<2048x1xf32>
    %reduce_sum3A_544 = vector.shape_cast %mul3A_543 : vector<2048x1xf32> to vector<1x2048x1xf32>
    %reduce_sum3A_545 = arith.constant dense<0.000000e+00> : vector<1xf32>
    %reduce_sum3A_546 = vector.multi_reduction <add>, %reduce_sum3A_544, %reduce_sum3A_545 [1, 2] : vector<1x2048x1xf32> to vector<1xf32>
    %reduce_sum3A_547 = vector.shape_cast %reduce_sum3A_546 : vector<1xf32> to vector<1x1x1xf32>
    %reduce_sum3A_548 = vector.extract %reduce_sum3A_547[0, 0, 0] : f32 from vector<1x1x1xf32>
    %reshape3A_549 = vector.broadcast %reduce_sum3A_548 : f32 to vector<1x1xf32>
    %mul3A_550 = arith.mulf %add3A_532, %broadcast_in_dim3A_24 : vector<2048x1xf32>
    %reduce_sum3A_551 = vector.shape_cast %mul3A_550 : vector<2048x1xf32> to vector<1x2048x1xf32>
    %reduce_sum3A_552 = arith.constant dense<0.000000e+00> : vector<1xf32>
    %reduce_sum3A_553 = vector.multi_reduction <add>, %reduce_sum3A_551, %reduce_sum3A_552 [1, 2] : vector<1x2048x1xf32> to vector<1xf32>
    %reduce_sum3A_554 = vector.shape_cast %reduce_sum3A_553 : vector<1xf32> to vector<1x1x1xf32>
    %reduce_sum3A_555 = vector.extract %reduce_sum3A_554[0, 0, 0] : f32 from vector<1x1x1xf32>
    %reshape3A_556 = vector.broadcast %reduce_sum3A_555 : f32 to vector<1x1xf32>
    %broadcast_in_dim3A_557 = arith.constant 0.000000e+00 : f32
    %broadcast_in_dim3A_558 = vector.broadcast %broadcast_in_dim3A_557 : f32 to vector<1x1xf32>
    %concatenate3A = tpu.concatenate %reshape3A, %reshape3A_549, %reshape3A_556, %broadcast_in_dim3A_558 in 1 : vector<1x1xf32>, vector<1x1xf32>, vector<1x1xf32>, vector<1x1xf32> -> vector<1x4xf32>
    %swap3A_559 = arith.constant 0 : index
    %swap3A_560 = arith.constant 0 : index
    %swap3A_561 = vector.load %arg9[%swap3A_559, %swap3A_560] : memref<1x4xf32, #tpu.memory_space<vmem>>, vector<1x4xf32>
    tpu.vector_store %arg9[%swap3A_559, %swap3A_560], %concatenate3A {strides = array<i32>} : memref<1x4xf32, #tpu.memory_space<vmem>>, vector<1x4xf32>,
    return
  }
}

module attributes {stable_mosaic.version = 14 : i64} {
  func.func @_b2_body(%arg0: memref<2048x1xi32, #tpu.memory_space<vmem>>, %arg1: memref<2048x1xi32, #tpu.memory_space<vmem>>, %arg2: memref<2048x1xi32, #tpu.memory_space<vmem>>, %arg3: memref<1x2048xi32, #tpu.memory_space<vmem>>, %arg4: memref<1x2048xi32, #tpu.memory_space<vmem>>, %arg5: memref<1x2048xi32, #tpu.memory_space<vmem>>, %arg6: memref<1x2048xf32, #tpu.memory_space<vmem>>, %arg7: memref<2048x1xf32, #tpu.memory_space<vmem>>, %arg8: memref<1x1xf32, #tpu.memory_space<vmem>>, %arg9: memref<1x1xf32, #tpu.memory_space<vmem>>, %arg10: memref<1x4xf32, #tpu.memory_space<vmem>>, %arg11: memref<1x4xf32, #tpu.memory_space<vmem>>) attributes {dimension_semantics = [], scalar_prefetch = 0 : i64, scratch_operands = 0 : i64, tpu.core_type = #tpu.core_type<tc>} {
    %get3A = arith.constant 0 : index
    %get3A_0 = arith.constant 0 : index
    %get3A_1 = vector.load %arg3[%get3A, %get3A_0] : memref<1x2048xi32, #tpu.memory_space<vmem>>, vector<1x2048xi32>
    %mul3A = arith.constant 4096 : i32
    %mul3A_2 = vector.broadcast %mul3A : i32 to vector<1x2048xi32>
    %mul3A_3 = arith.muli %get3A_1, %mul3A_2 : vector<1x2048xi32>
    %get3A_4 = arith.constant 0 : index
    %get3A_5 = arith.constant 0 : index
    %get3A_6 = vector.load %arg4[%get3A_4, %get3A_5] : memref<1x2048xi32, #tpu.memory_space<vmem>>, vector<1x2048xi32>
    %add3A = arith.addi %mul3A_3, %get3A_6 : vector<1x2048xi32>
    %mul3A_7 = arith.constant 80 : i32
    %mul3A_8 = vector.broadcast %mul3A_7 : i32 to vector<1x2048xi32>
    %mul3A_9 = arith.muli %add3A, %mul3A_8 : vector<1x2048xi32>
    %get3A_10 = arith.constant 0 : index
    %get3A_11 = arith.constant 0 : index
    %get3A_12 = vector.load %arg5[%get3A_10, %get3A_11] : memref<1x2048xi32, #tpu.memory_space<vmem>>, vector<1x2048xi32>
    %add3A_13 = arith.addi %mul3A_9, %get3A_12 : vector<1x2048xi32>
    %iota3A = tpu.iota {dimensions = array<i32: 1>} : vector<256x2048xi32>
    %broadcast_in_dim3A = arith.constant 0.000000e+00 : f32
    %broadcast_in_dim3A_14 = vector.broadcast %broadcast_in_dim3A : f32 to vector<1x1xf32>
    %get3A_15 = arith.constant 0 : index
    %get3A_16 = arith.constant 0 : index
    %get3A_17 = vector.load %arg0[%get3A_15, %get3A_16] : memref<2048x1xi32, #tpu.memory_space<vmem>>, vector<256x1xi32>
    %mul3A_18 = arith.constant 4096 : i32
    %mul3A_19 = vector.broadcast %mul3A_18 : i32 to vector<256x1xi32>
    %mul3A_20 = arith.muli %get3A_17, %mul3A_19 : vector<256x1xi32>
    %get3A_21 = arith.constant 0 : index
    %get3A_22 = arith.constant 0 : index
    %get3A_23 = vector.load %arg1[%get3A_21, %get3A_22] : memref<2048x1xi32, #tpu.memory_space<vmem>>, vector<256x1xi32>
    %add3A_24 = arith.addi %mul3A_20, %get3A_23 : vector<256x1xi32>
    %mul3A_25 = arith.constant 80 : i32
    %mul3A_26 = vector.broadcast %mul3A_25 : i32 to vector<256x1xi32>
    %mul3A_27 = arith.muli %add3A_24, %mul3A_26 : vector<256x1xi32>
    %get3A_28 = arith.constant 0 : index
    %get3A_29 = arith.constant 0 : index
    %get3A_30 = vector.load %arg2[%get3A_28, %get3A_29] : memref<2048x1xi32, #tpu.memory_space<vmem>>, vector<256x1xi32>
    %add3A_31 = arith.addi %mul3A_27, %get3A_30 : vector<256x1xi32>
    %eq3A = vector.broadcast %add3A_24 : vector<256x1xi32> to vector<256x2048xi32>
    %eq3A_32 = vector.broadcast %add3A : vector<1x2048xi32> to vector<256x2048xi32>
    %eq3A_33 = arith.cmpi eq, %eq3A, %eq3A_32 : vector<256x2048xi32>
    %jit3A = arith.constant -1 : i32
    %broadcast_in_dim3A_34 = vector.broadcast %jit3A : i32 to vector<256x2048xi32>
    %select_n3A = arith.select %eq3A_33, %iota3A, %broadcast_in_dim3A_34 : vector<256x2048xi1>, vector<256x2048xi32>
    %reduce_max3A = arith.constant dense<-2147483648> : vector<256xi32>
    %reduce_max3A_35 = vector.multi_reduction <maxsi>, %select_n3A, %reduce_max3A [1] : vector<256x2048xi32> to vector<256xi32>
    %broadcast_in_dim3A_36 = vector.shape_cast %reduce_max3A_35 : vector<256xi32> to vector<256x1xi32>
    %eq3A_37 = vector.broadcast %broadcast_in_dim3A_36 : vector<256x1xi32> to vector<256x2048xi32>
    %eq3A_38 = arith.cmpi eq, %iota3A, %eq3A_37 : vector<256x2048xi32>
    %get3A_39 = arith.constant 0 : index
    %get3A_40 = arith.constant 0 : index
    %get3A_41 = vector.load %arg6[%get3A_39, %get3A_40] : memref<1x2048xf32, #tpu.memory_space<vmem>>, vector<1x2048xf32>
    %jit3A_42 = arith.constant 0.000000e+00 : f32
    %broadcast_in_dim3A_43 = vector.shape_cast %get3A_41 : vector<1x2048xf32> to vector<1x2048xf32>
    %broadcast_in_dim3A_44 = vector.broadcast %broadcast_in_dim3A_43 : vector<1x2048xf32> to vector<256x2048xf32>
    %broadcast_in_dim3A_45 = vector.broadcast %jit3A_42 : f32 to vector<256x2048xf32>
    %select_n3A_46 = arith.select %eq3A_38, %broadcast_in_dim3A_44, %broadcast_in_dim3A_45 : vector<256x2048xi1>, vector<256x2048xf32>
    %reduce_sum3A = arith.constant dense<0.000000e+00> : vector<256xf32>
    %reduce_sum3A_47 = vector.multi_reduction <add>, %select_n3A_46, %reduce_sum3A [1] : vector<256x2048xf32> to vector<256xf32>
    %broadcast_in_dim3A_48 = vector.shape_cast %reduce_sum3A_47 : vector<256xf32> to vector<256x1xf32>
    %eq3A_49 = vector.broadcast %add3A_31 : vector<256x1xi32> to vector<256x2048xi32>
    %eq3A_50 = vector.broadcast %add3A_13 : vector<1x2048xi32> to vector<256x2048xi32>
    %eq3A_51 = arith.cmpi eq, %eq3A_49, %eq3A_50 : vector<256x2048xi32>
    %jit3A_52 = arith.constant -1 : i32
    %broadcast_in_dim3A_53 = vector.broadcast %jit3A_52 : i32 to vector<256x2048xi32>
    %select_n3A_54 = arith.select %eq3A_51, %iota3A, %broadcast_in_dim3A_53 : vector<256x2048xi1>, vector<256x2048xi32>
    %reduce_max3A_55 = arith.constant dense<-2147483648> : vector<256xi32>
    %reduce_max3A_56 = vector.multi_reduction <maxsi>, %select_n3A_54, %reduce_max3A_55 [1] : vector<256x2048xi32> to vector<256xi32>
    %broadcast_in_dim3A_57 = vector.shape_cast %reduce_max3A_56 : vector<256xi32> to vector<256x1xi32>
    %iota3A_58 = tpu.iota {dimensions = array<i32: 0>} : vector<256x1xi32>
    %add3A_59 = arith.constant 0 : i32
    %add3A_60 = vector.broadcast %add3A_59 : i32 to vector<256x1xi32>
    %add3A_61 = arith.addi %add3A_60, %iota3A_58 : vector<256x1xi32>
    %eq3A_62 = arith.cmpi eq, %broadcast_in_dim3A_57, %add3A_61 : vector<256x1xi32>
    %get3A_63 = arith.constant 0 : index
    %get3A_64 = arith.constant 0 : index
    %get3A_65 = vector.load %arg7[%get3A_63, %get3A_64] : memref<2048x1xf32, #tpu.memory_space<vmem>>, vector<256x1xf32>
    %abs3A = math.absf %get3A_65 : vector<256x1xf32>
    %neg3A = arith.constant 0.000000e+00 : f32
    %neg3A_66 = vector.broadcast %neg3A : f32 to vector<256x1xf32>
    %neg3A_67 = arith.subf %neg3A_66, %abs3A : vector<256x1xf32>
    %exp3A = math.exp %neg3A_67 : vector<256x1xf32>
    %max3A = arith.constant 0.000000e+00 : f32
    %max3A_68 = vector.broadcast %max3A : f32 to vector<256x1xf32>
    %max3A_69 = arith.maximumf %get3A_65, %max3A_68 : vector<256x1xf32>
    %add3A_70 = arith.constant 1.000000e+00 : f32
    %add3A_71 = vector.broadcast %add3A_70 : f32 to vector<256x1xf32>
    %add3A_72 = arith.addf %add3A_71, %exp3A : vector<256x1xf32>
    %log3A = math.log %add3A_72 : vector<256x1xf32>
    %add3A_73 = arith.addf %max3A_69, %log3A : vector<256x1xf32>
    %ge3A = arith.constant 0.000000e+00 : f32
    %ge3A_74 = vector.broadcast %ge3A : f32 to vector<256x1xf32>
    %ge3A_75 = arith.cmpf oge, %get3A_65, %ge3A_74 : vector<256x1xf32>
    %add3A_76 = arith.constant 1.000000e+00 : f32
    %add3A_77 = vector.broadcast %add3A_76 : f32 to vector<256x1xf32>
    %add3A_78 = arith.addf %add3A_77, %exp3A : vector<256x1xf32>
    %div3A = arith.constant 1.000000e+00 : f32
    %div3A_79 = vector.broadcast %div3A : f32 to vector<256x1xf32>
    %div3A_80 = arith.divf %div3A_79, %add3A_78 : vector<256x1xf32>
    %add3A_81 = arith.constant 1.000000e+00 : f32
    %add3A_82 = vector.broadcast %add3A_81 : f32 to vector<256x1xf32>
    %add3A_83 = arith.addf %add3A_82, %exp3A : vector<256x1xf32>
    %div3A_84 = arith.divf %exp3A, %add3A_83 : vector<256x1xf32>
    %select_n3A_85 = arith.select %ge3A_75, %div3A_80, %div3A_84 : vector<256x1xi1>, vector<256x1xf32>
    %sub3A = arith.subf %select_n3A_85, %broadcast_in_dim3A_48 : vector<256x1xf32>
    %mul3A_86 = arith.mulf %get3A_65, %broadcast_in_dim3A_48 : vector<256x1xf32>
    %sub3A_87 = arith.subf %add3A_73, %mul3A_86 : vector<256x1xf32>
    %mul3A_88 = arith.mulf %sub3A_87, %sub3A : vector<256x1xf32>
    %mul3A_89 = arith.mulf %mul3A_88, %sub3A : vector<256x1xf32>
    %mul3A_90 = arith.mulf %add3A_73, %select_n3A_85 : vector<256x1xf32>
    %mul3A_91 = arith.mulf %mul3A_90, %select_n3A_85 : vector<256x1xf32>
    %sub3A_92 = arith.subf %mul3A_89, %mul3A_91 : vector<256x1xf32>
    %jit3A_93 = arith.constant 0.000000e+00 : f32
    %broadcast_in_dim3A_94 = vector.broadcast %jit3A_93 : f32 to vector<256x1xf32>
    %select_n3A_95 = arith.select %eq3A_62, %sub3A_92, %broadcast_in_dim3A_94 : vector<256x1xi1>, vector<256x1xf32>
    %reduce_sum3A_96 = vector.shape_cast %select_n3A_95 : vector<256x1xf32> to vector<1x256x1xf32>
    %reduce_sum3A_97 = arith.constant dense<0.000000e+00> : vector<1xf32>
    %reduce_sum3A_98 = vector.multi_reduction <add>, %reduce_sum3A_96, %reduce_sum3A_97 [1, 2] : vector<1x256x1xf32> to vector<1xf32>
    %reduce_sum3A_99 = vector.shape_cast %reduce_sum3A_98 : vector<1xf32> to vector<1x1x1xf32>
    %reduce_sum3A_100 = vector.extract %reduce_sum3A_99[0, 0, 0] : f32 from vector<1x1x1xf32>
    %reshape3A = vector.broadcast %reduce_sum3A_100 : f32 to vector<1x1xf32>
    %add3A_101 = arith.addf %broadcast_in_dim3A_14, %reshape3A : vector<1x1xf32>
    %get3A_102 = arith.constant 256 : index
    %get3A_103 = arith.constant 0 : index
    %get3A_104 = vector.load %arg0[%get3A_102, %get3A_103] : memref<2048x1xi32, #tpu.memory_space<vmem>>, vector<256x1xi32>
    %mul3A_105 = arith.constant 4096 : i32
    %mul3A_106 = vector.broadcast %mul3A_105 : i32 to vector<256x1xi32>
    %mul3A_107 = arith.muli %get3A_104, %mul3A_106 : vector<256x1xi32>
    %get3A_108 = arith.constant 256 : index
    %get3A_109 = arith.constant 0 : index
    %get3A_110 = vector.load %arg1[%get3A_108, %get3A_109] : memref<2048x1xi32, #tpu.memory_space<vmem>>, vector<256x1xi32>
    %add3A_111 = arith.addi %mul3A_107, %get3A_110 : vector<256x1xi32>
    %mul3A_112 = arith.constant 80 : i32
    %mul3A_113 = vector.broadcast %mul3A_112 : i32 to vector<256x1xi32>
    %mul3A_114 = arith.muli %add3A_111, %mul3A_113 : vector<256x1xi32>
    %get3A_115 = arith.constant 256 : index
    %get3A_116 = arith.constant 0 : index
    %get3A_117 = vector.load %arg2[%get3A_115, %get3A_116] : memref<2048x1xi32, #tpu.memory_space<vmem>>, vector<256x1xi32>
    %add3A_118 = arith.addi %mul3A_114, %get3A_117 : vector<256x1xi32>
    %eq3A_119 = vector.broadcast %add3A_111 : vector<256x1xi32> to vector<256x2048xi32>
    %eq3A_120 = vector.broadcast %add3A : vector<1x2048xi32> to vector<256x2048xi32>
    %eq3A_121 = arith.cmpi eq, %eq3A_119, %eq3A_120 : vector<256x2048xi32>
    %jit3A_122 = arith.constant -1 : i32
    %broadcast_in_dim3A_123 = vector.broadcast %jit3A_122 : i32 to vector<256x2048xi32>
    %select_n3A_124 = arith.select %eq3A_121, %iota3A, %broadcast_in_dim3A_123 : vector<256x2048xi1>, vector<256x2048xi32>
    %reduce_max3A_125 = arith.constant dense<-2147483648> : vector<256xi32>
    %reduce_max3A_126 = vector.multi_reduction <maxsi>, %select_n3A_124, %reduce_max3A_125 [1] : vector<256x2048xi32> to vector<256xi32>
    %broadcast_in_dim3A_127 = vector.shape_cast %reduce_max3A_126 : vector<256xi32> to vector<256x1xi32>
    %eq3A_128 = vector.broadcast %broadcast_in_dim3A_127 : vector<256x1xi32> to vector<256x2048xi32>
    %eq3A_129 = arith.cmpi eq, %iota3A, %eq3A_128 : vector<256x2048xi32>
    %get3A_130 = arith.constant 0 : index
    %get3A_131 = arith.constant 0 : index
    %get3A_132 = vector.load %arg6[%get3A_130, %get3A_131] : memref<1x2048xf32, #tpu.memory_space<vmem>>, vector<1x2048xf32>
    %jit3A_133 = arith.constant 0.000000e+00 : f32
    %broadcast_in_dim3A_134 = vector.shape_cast %get3A_132 : vector<1x2048xf32> to vector<1x2048xf32>
    %broadcast_in_dim3A_135 = vector.broadcast %broadcast_in_dim3A_134 : vector<1x2048xf32> to vector<256x2048xf32>
    %broadcast_in_dim3A_136 = vector.broadcast %jit3A_133 : f32 to vector<256x2048xf32>
    %select_n3A_137 = arith.select %eq3A_129, %broadcast_in_dim3A_135, %broadcast_in_dim3A_136 : vector<256x2048xi1>, vector<256x2048xf32>
    %reduce_sum3A_138 = arith.constant dense<0.000000e+00> : vector<256xf32>
    %reduce_sum3A_139 = vector.multi_reduction <add>, %select_n3A_137, %reduce_sum3A_138 [1] : vector<256x2048xf32> to vector<256xf32>
    %broadcast_in_dim3A_140 = vector.shape_cast %reduce_sum3A_139 : vector<256xf32> to vector<256x1xf32>
    %eq3A_141 = vector.broadcast %add3A_118 : vector<256x1xi32> to vector<256x2048xi32>
    %eq3A_142 = vector.broadcast %add3A_13 : vector<1x2048xi32> to vector<256x2048xi32>
    %eq3A_143 = arith.cmpi eq, %eq3A_141, %eq3A_142 : vector<256x2048xi32>
    %jit3A_144 = arith.constant -1 : i32
    %broadcast_in_dim3A_145 = vector.broadcast %jit3A_144 : i32 to vector<256x2048xi32>
    %select_n3A_146 = arith.select %eq3A_143, %iota3A, %broadcast_in_dim3A_145 : vector<256x2048xi1>, vector<256x2048xi32>
    %reduce_max3A_147 = arith.constant dense<-2147483648> : vector<256xi32>
    %reduce_max3A_148 = vector.multi_reduction <maxsi>, %select_n3A_146, %reduce_max3A_147 [1] : vector<256x2048xi32> to vector<256xi32>
    %broadcast_in_dim3A_149 = vector.shape_cast %reduce_max3A_148 : vector<256xi32> to vector<256x1xi32>
    %iota3A_150 = tpu.iota {dimensions = array<i32: 0>} : vector<256x1xi32>
    %add3A_151 = arith.constant 256 : i32
    %add3A_152 = vector.broadcast %add3A_151 : i32 to vector<256x1xi32>
    %add3A_153 = arith.addi %add3A_152, %iota3A_150 : vector<256x1xi32>
    %eq3A_154 = arith.cmpi eq, %broadcast_in_dim3A_149, %add3A_153 : vector<256x1xi32>
    %get3A_155 = arith.constant 256 : index
    %get3A_156 = arith.constant 0 : index
    %get3A_157 = vector.load %arg7[%get3A_155, %get3A_156] : memref<2048x1xf32, #tpu.memory_space<vmem>>, vector<256x1xf32>
    %abs3A_158 = math.absf %get3A_157 : vector<256x1xf32>
    %neg3A_159 = arith.constant 0.000000e+00 : f32
    %neg3A_160 = vector.broadcast %neg3A_159 : f32 to vector<256x1xf32>
    %neg3A_161 = arith.subf %neg3A_160, %abs3A_158 : vector<256x1xf32>
    %exp3A_162 = math.exp %neg3A_161 : vector<256x1xf32>
    %max3A_163 = arith.constant 0.000000e+00 : f32
    %max3A_164 = vector.broadcast %max3A_163 : f32 to vector<256x1xf32>
    %max3A_165 = arith.maximumf %get3A_157, %max3A_164 : vector<256x1xf32>
    %add3A_166 = arith.constant 1.000000e+00 : f32
    %add3A_167 = vector.broadcast %add3A_166 : f32 to vector<256x1xf32>
    %add3A_168 = arith.addf %add3A_167, %exp3A_162 : vector<256x1xf32>
    %log3A_169 = math.log %add3A_168 : vector<256x1xf32>
    %add3A_170 = arith.addf %max3A_165, %log3A_169 : vector<256x1xf32>
    %ge3A_171 = arith.constant 0.000000e+00 : f32
    %ge3A_172 = vector.broadcast %ge3A_171 : f32 to vector<256x1xf32>
    %ge3A_173 = arith.cmpf oge, %get3A_157, %ge3A_172 : vector<256x1xf32>
    %add3A_174 = arith.constant 1.000000e+00 : f32
    %add3A_175 = vector.broadcast %add3A_174 : f32 to vector<256x1xf32>
    %add3A_176 = arith.addf %add3A_175, %exp3A_162 : vector<256x1xf32>
    %div3A_177 = arith.constant 1.000000e+00 : f32
    %div3A_178 = vector.broadcast %div3A_177 : f32 to vector<256x1xf32>
    %div3A_179 = arith.divf %div3A_178, %add3A_176 : vector<256x1xf32>
    %add3A_180 = arith.constant 1.000000e+00 : f32
    %add3A_181 = vector.broadcast %add3A_180 : f32 to vector<256x1xf32>
    %add3A_182 = arith.addf %add3A_181, %exp3A_162 : vector<256x1xf32>
    %div3A_183 = arith.divf %exp3A_162, %add3A_182 : vector<256x1xf32>
    %select_n3A_184 = arith.select %ge3A_173, %div3A_179, %div3A_183 : vector<256x1xi1>, vector<256x1xf32>
    %sub3A_185 = arith.subf %select_n3A_184, %broadcast_in_dim3A_140 : vector<256x1xf32>
    %mul3A_186 = arith.mulf %get3A_157, %broadcast_in_dim3A_140 : vector<256x1xf32>
    %sub3A_187 = arith.subf %add3A_170, %mul3A_186 : vector<256x1xf32>
    %mul3A_188 = arith.mulf %sub3A_187, %sub3A_185 : vector<256x1xf32>
    %mul3A_189 = arith.mulf %mul3A_188, %sub3A_185 : vector<256x1xf32>
    %mul3A_190 = arith.mulf %add3A_170, %select_n3A_184 : vector<256x1xf32>
    %mul3A_191 = arith.mulf %mul3A_190, %select_n3A_184 : vector<256x1xf32>
    %sub3A_192 = arith.subf %mul3A_189, %mul3A_191 : vector<256x1xf32>
    %jit3A_193 = arith.constant 0.000000e+00 : f32
    %broadcast_in_dim3A_194 = vector.broadcast %jit3A_193 : f32 to vector<256x1xf32>
    %select_n3A_195 = arith.select %eq3A_154, %sub3A_192, %broadcast_in_dim3A_194 : vector<256x1xi1>, vector<256x1xf32>
    %reduce_sum3A_196 = vector.shape_cast %select_n3A_195 : vector<256x1xf32> to vector<1x256x1xf32>
    %reduce_sum3A_197 = arith.constant dense<0.000000e+00> : vector<1xf32>
    %reduce_sum3A_198 = vector.multi_reduction <add>, %reduce_sum3A_196, %reduce_sum3A_197 [1, 2] : vector<1x256x1xf32> to vector<1xf32>
    %reduce_sum3A_199 = vector.shape_cast %reduce_sum3A_198 : vector<1xf32> to vector<1x1x1xf32>
    %reduce_sum3A_200 = vector.extract %reduce_sum3A_199[0, 0, 0] : f32 from vector<1x1x1xf32>
    %reshape3A_201 = vector.broadcast %reduce_sum3A_200 : f32 to vector<1x1xf32>
    %add3A_202 = arith.addf %add3A_101, %reshape3A_201 : vector<1x1xf32>
    %get3A_203 = arith.constant 512 : index
    %get3A_204 = arith.constant 0 : index
    %get3A_205 = vector.load %arg0[%get3A_203, %get3A_204] : memref<2048x1xi32, #tpu.memory_space<vmem>>, vector<256x1xi32>
    %mul3A_206 = arith.constant 4096 : i32
    %mul3A_207 = vector.broadcast %mul3A_206 : i32 to vector<256x1xi32>
    %mul3A_208 = arith.muli %get3A_205, %mul3A_207 : vector<256x1xi32>
    %get3A_209 = arith.constant 512 : index
    %get3A_210 = arith.constant 0 : index
    %get3A_211 = vector.load %arg1[%get3A_209, %get3A_210] : memref<2048x1xi32, #tpu.memory_space<vmem>>, vector<256x1xi32>
    %add3A_212 = arith.addi %mul3A_208, %get3A_211 : vector<256x1xi32>
    %mul3A_213 = arith.constant 80 : i32
    %mul3A_214 = vector.broadcast %mul3A_213 : i32 to vector<256x1xi32>
    %mul3A_215 = arith.muli %add3A_212, %mul3A_214 : vector<256x1xi32>
    %get3A_216 = arith.constant 512 : index
    %get3A_217 = arith.constant 0 : index
    %get3A_218 = vector.load %arg2[%get3A_216, %get3A_217] : memref<2048x1xi32, #tpu.memory_space<vmem>>, vector<256x1xi32>
    %add3A_219 = arith.addi %mul3A_215, %get3A_218 : vector<256x1xi32>
    %eq3A_220 = vector.broadcast %add3A_212 : vector<256x1xi32> to vector<256x2048xi32>
    %eq3A_221 = vector.broadcast %add3A : vector<1x2048xi32> to vector<256x2048xi32>
    %eq3A_222 = arith.cmpi eq, %eq3A_220, %eq3A_221 : vector<256x2048xi32>
    %jit3A_223 = arith.constant -1 : i32
    %broadcast_in_dim3A_224 = vector.broadcast %jit3A_223 : i32 to vector<256x2048xi32>
    %select_n3A_225 = arith.select %eq3A_222, %iota3A, %broadcast_in_dim3A_224 : vector<256x2048xi1>, vector<256x2048xi32>
    %reduce_max3A_226 = arith.constant dense<-2147483648> : vector<256xi32>
    %reduce_max3A_227 = vector.multi_reduction <maxsi>, %select_n3A_225, %reduce_max3A_226 [1] : vector<256x2048xi32> to vector<256xi32>
    %broadcast_in_dim3A_228 = vector.shape_cast %reduce_max3A_227 : vector<256xi32> to vector<256x1xi32>
    %eq3A_229 = vector.broadcast %broadcast_in_dim3A_228 : vector<256x1xi32> to vector<256x2048xi32>
    %eq3A_230 = arith.cmpi eq, %iota3A, %eq3A_229 : vector<256x2048xi32>
    %get3A_231 = arith.constant 0 : index
    %get3A_232 = arith.constant 0 : index
    %get3A_233 = vector.load %arg6[%get3A_231, %get3A_232] : memref<1x2048xf32, #tpu.memory_space<vmem>>, vector<1x2048xf32>
    %jit3A_234 = arith.constant 0.000000e+00 : f32
    %broadcast_in_dim3A_235 = vector.shape_cast %get3A_233 : vector<1x2048xf32> to vector<1x2048xf32>
    %broadcast_in_dim3A_236 = vector.broadcast %broadcast_in_dim3A_235 : vector<1x2048xf32> to vector<256x2048xf32>
    %broadcast_in_dim3A_237 = vector.broadcast %jit3A_234 : f32 to vector<256x2048xf32>
    %select_n3A_238 = arith.select %eq3A_230, %broadcast_in_dim3A_236, %broadcast_in_dim3A_237 : vector<256x2048xi1>, vector<256x2048xf32>
    %reduce_sum3A_239 = arith.constant dense<0.000000e+00> : vector<256xf32>
    %reduce_sum3A_240 = vector.multi_reduction <add>, %select_n3A_238, %reduce_sum3A_239 [1] : vector<256x2048xf32> to vector<256xf32>
    %broadcast_in_dim3A_241 = vector.shape_cast %reduce_sum3A_240 : vector<256xf32> to vector<256x1xf32>
    %eq3A_242 = vector.broadcast %add3A_219 : vector<256x1xi32> to vector<256x2048xi32>
    %eq3A_243 = vector.broadcast %add3A_13 : vector<1x2048xi32> to vector<256x2048xi32>
    %eq3A_244 = arith.cmpi eq, %eq3A_242, %eq3A_243 : vector<256x2048xi32>
    %jit3A_245 = arith.constant -1 : i32
    %broadcast_in_dim3A_246 = vector.broadcast %jit3A_245 : i32 to vector<256x2048xi32>
    %select_n3A_247 = arith.select %eq3A_244, %iota3A, %broadcast_in_dim3A_246 : vector<256x2048xi1>, vector<256x2048xi32>
    %reduce_max3A_248 = arith.constant dense<-2147483648> : vector<256xi32>
    %reduce_max3A_249 = vector.multi_reduction <maxsi>, %select_n3A_247, %reduce_max3A_248 [1] : vector<256x2048xi32> to vector<256xi32>
    %broadcast_in_dim3A_250 = vector.shape_cast %reduce_max3A_249 : vector<256xi32> to vector<256x1xi32>
    %iota3A_251 = tpu.iota {dimensions = array<i32: 0>} : vector<256x1xi32>
    %add3A_252 = arith.constant 512 : i32
    %add3A_253 = vector.broadcast %add3A_252 : i32 to vector<256x1xi32>
    %add3A_254 = arith.addi %add3A_253, %iota3A_251 : vector<256x1xi32>
    %eq3A_255 = arith.cmpi eq, %broadcast_in_dim3A_250, %add3A_254 : vector<256x1xi32>
    %get3A_256 = arith.constant 512 : index
    %get3A_257 = arith.constant 0 : index
    %get3A_258 = vector.load %arg7[%get3A_256, %get3A_257] : memref<2048x1xf32, #tpu.memory_space<vmem>>, vector<256x1xf32>
    %abs3A_259 = math.absf %get3A_258 : vector<256x1xf32>
    %neg3A_260 = arith.constant 0.000000e+00 : f32
    %neg3A_261 = vector.broadcast %neg3A_260 : f32 to vector<256x1xf32>
    %neg3A_262 = arith.subf %neg3A_261, %abs3A_259 : vector<256x1xf32>
    %exp3A_263 = math.exp %neg3A_262 : vector<256x1xf32>
    %max3A_264 = arith.constant 0.000000e+00 : f32
    %max3A_265 = vector.broadcast %max3A_264 : f32 to vector<256x1xf32>
    %max3A_266 = arith.maximumf %get3A_258, %max3A_265 : vector<256x1xf32>
    %add3A_267 = arith.constant 1.000000e+00 : f32
    %add3A_268 = vector.broadcast %add3A_267 : f32 to vector<256x1xf32>
    %add3A_269 = arith.addf %add3A_268, %exp3A_263 : vector<256x1xf32>
    %log3A_270 = math.log %add3A_269 : vector<256x1xf32>
    %add3A_271 = arith.addf %max3A_266, %log3A_270 : vector<256x1xf32>
    %ge3A_272 = arith.constant 0.000000e+00 : f32
    %ge3A_273 = vector.broadcast %ge3A_272 : f32 to vector<256x1xf32>
    %ge3A_274 = arith.cmpf oge, %get3A_258, %ge3A_273 : vector<256x1xf32>
    %add3A_275 = arith.constant 1.000000e+00 : f32
    %add3A_276 = vector.broadcast %add3A_275 : f32 to vector<256x1xf32>
    %add3A_277 = arith.addf %add3A_276, %exp3A_263 : vector<256x1xf32>
    %div3A_278 = arith.constant 1.000000e+00 : f32
    %div3A_279 = vector.broadcast %div3A_278 : f32 to vector<256x1xf32>
    %div3A_280 = arith.divf %div3A_279, %add3A_277 : vector<256x1xf32>
    %add3A_281 = arith.constant 1.000000e+00 : f32
    %add3A_282 = vector.broadcast %add3A_281 : f32 to vector<256x1xf32>
    %add3A_283 = arith.addf %add3A_282, %exp3A_263 : vector<256x1xf32>
    %div3A_284 = arith.divf %exp3A_263, %add3A_283 : vector<256x1xf32>
    %select_n3A_285 = arith.select %ge3A_274, %div3A_280, %div3A_284 : vector<256x1xi1>, vector<256x1xf32>
    %sub3A_286 = arith.subf %select_n3A_285, %broadcast_in_dim3A_241 : vector<256x1xf32>
    %mul3A_287 = arith.mulf %get3A_258, %broadcast_in_dim3A_241 : vector<256x1xf32>
    %sub3A_288 = arith.subf %add3A_271, %mul3A_287 : vector<256x1xf32>
    %mul3A_289 = arith.mulf %sub3A_288, %sub3A_286 : vector<256x1xf32>
    %mul3A_290 = arith.mulf %mul3A_289, %sub3A_286 : vector<256x1xf32>
    %mul3A_291 = arith.mulf %add3A_271, %select_n3A_285 : vector<256x1xf32>
    %mul3A_292 = arith.mulf %mul3A_291, %select_n3A_285 : vector<256x1xf32>
    %sub3A_293 = arith.subf %mul3A_290, %mul3A_292 : vector<256x1xf32>
    %jit3A_294 = arith.constant 0.000000e+00 : f32
    %broadcast_in_dim3A_295 = vector.broadcast %jit3A_294 : f32 to vector<256x1xf32>
    %select_n3A_296 = arith.select %eq3A_255, %sub3A_293, %broadcast_in_dim3A_295 : vector<256x1xi1>, vector<256x1xf32>
    %reduce_sum3A_297 = vector.shape_cast %select_n3A_296 : vector<256x1xf32> to vector<1x256x1xf32>
    %reduce_sum3A_298 = arith.constant dense<0.000000e+00> : vector<1xf32>
    %reduce_sum3A_299 = vector.multi_reduction <add>, %reduce_sum3A_297, %reduce_sum3A_298 [1, 2] : vector<1x256x1xf32> to vector<1xf32>
    %reduce_sum3A_300 = vector.shape_cast %reduce_sum3A_299 : vector<1xf32> to vector<1x1x1xf32>
    %reduce_sum3A_301 = vector.extract %reduce_sum3A_300[0, 0, 0] : f32 from vector<1x1x1xf32>
    %reshape3A_302 = vector.broadcast %reduce_sum3A_301 : f32 to vector<1x1xf32>
    %add3A_303 = arith.addf %add3A_202, %reshape3A_302 : vector<1x1xf32>
    %get3A_304 = arith.constant 768 : index
    %get3A_305 = arith.constant 0 : index
    %get3A_306 = vector.load %arg0[%get3A_304, %get3A_305] : memref<2048x1xi32, #tpu.memory_space<vmem>>, vector<256x1xi32>
    %mul3A_307 = arith.constant 4096 : i32
    %mul3A_308 = vector.broadcast %mul3A_307 : i32 to vector<256x1xi32>
    %mul3A_309 = arith.muli %get3A_306, %mul3A_308 : vector<256x1xi32>
    %get3A_310 = arith.constant 768 : index
    %get3A_311 = arith.constant 0 : index
    %get3A_312 = vector.load %arg1[%get3A_310, %get3A_311] : memref<2048x1xi32, #tpu.memory_space<vmem>>, vector<256x1xi32>
    %add3A_313 = arith.addi %mul3A_309, %get3A_312 : vector<256x1xi32>
    %mul3A_314 = arith.constant 80 : i32
    %mul3A_315 = vector.broadcast %mul3A_314 : i32 to vector<256x1xi32>
    %mul3A_316 = arith.muli %add3A_313, %mul3A_315 : vector<256x1xi32>
    %get3A_317 = arith.constant 768 : index
    %get3A_318 = arith.constant 0 : index
    %get3A_319 = vector.load %arg2[%get3A_317, %get3A_318] : memref<2048x1xi32, #tpu.memory_space<vmem>>, vector<256x1xi32>
    %add3A_320 = arith.addi %mul3A_316, %get3A_319 : vector<256x1xi32>
    %eq3A_321 = vector.broadcast %add3A_313 : vector<256x1xi32> to vector<256x2048xi32>
    %eq3A_322 = vector.broadcast %add3A : vector<1x2048xi32> to vector<256x2048xi32>
    %eq3A_323 = arith.cmpi eq, %eq3A_321, %eq3A_322 : vector<256x2048xi32>
    %jit3A_324 = arith.constant -1 : i32
    %broadcast_in_dim3A_325 = vector.broadcast %jit3A_324 : i32 to vector<256x2048xi32>
    %select_n3A_326 = arith.select %eq3A_323, %iota3A, %broadcast_in_dim3A_325 : vector<256x2048xi1>, vector<256x2048xi32>
    %reduce_max3A_327 = arith.constant dense<-2147483648> : vector<256xi32>
    %reduce_max3A_328 = vector.multi_reduction <maxsi>, %select_n3A_326, %reduce_max3A_327 [1] : vector<256x2048xi32> to vector<256xi32>
    %broadcast_in_dim3A_329 = vector.shape_cast %reduce_max3A_328 : vector<256xi32> to vector<256x1xi32>
    %eq3A_330 = vector.broadcast %broadcast_in_dim3A_329 : vector<256x1xi32> to vector<256x2048xi32>
    %eq3A_331 = arith.cmpi eq, %iota3A, %eq3A_330 : vector<256x2048xi32>
    %get3A_332 = arith.constant 0 : index
    %get3A_333 = arith.constant 0 : index
    %get3A_334 = vector.load %arg6[%get3A_332, %get3A_333] : memref<1x2048xf32, #tpu.memory_space<vmem>>, vector<1x2048xf32>
    %jit3A_335 = arith.constant 0.000000e+00 : f32
    %broadcast_in_dim3A_336 = vector.shape_cast %get3A_334 : vector<1x2048xf32> to vector<1x2048xf32>
    %broadcast_in_dim3A_337 = vector.broadcast %broadcast_in_dim3A_336 : vector<1x2048xf32> to vector<256x2048xf32>
    %broadcast_in_dim3A_338 = vector.broadcast %jit3A_335 : f32 to vector<256x2048xf32>
    %select_n3A_339 = arith.select %eq3A_331, %broadcast_in_dim3A_337, %broadcast_in_dim3A_338 : vector<256x2048xi1>, vector<256x2048xf32>
    %reduce_sum3A_340 = arith.constant dense<0.000000e+00> : vector<256xf32>
    %reduce_sum3A_341 = vector.multi_reduction <add>, %select_n3A_339, %reduce_sum3A_340 [1] : vector<256x2048xf32> to vector<256xf32>
    %broadcast_in_dim3A_342 = vector.shape_cast %reduce_sum3A_341 : vector<256xf32> to vector<256x1xf32>
    %eq3A_343 = vector.broadcast %add3A_320 : vector<256x1xi32> to vector<256x2048xi32>
    %eq3A_344 = vector.broadcast %add3A_13 : vector<1x2048xi32> to vector<256x2048xi32>
    %eq3A_345 = arith.cmpi eq, %eq3A_343, %eq3A_344 : vector<256x2048xi32>
    %jit3A_346 = arith.constant -1 : i32
    %broadcast_in_dim3A_347 = vector.broadcast %jit3A_346 : i32 to vector<256x2048xi32>
    %select_n3A_348 = arith.select %eq3A_345, %iota3A, %broadcast_in_dim3A_347 : vector<256x2048xi1>, vector<256x2048xi32>
    %reduce_max3A_349 = arith.constant dense<-2147483648> : vector<256xi32>
    %reduce_max3A_350 = vector.multi_reduction <maxsi>, %select_n3A_348, %reduce_max3A_349 [1] : vector<256x2048xi32> to vector<256xi32>
    %broadcast_in_dim3A_351 = vector.shape_cast %reduce_max3A_350 : vector<256xi32> to vector<256x1xi32>
    %iota3A_352 = tpu.iota {dimensions = array<i32: 0>} : vector<256x1xi32>
    %add3A_353 = arith.constant 768 : i32
    %add3A_354 = vector.broadcast %add3A_353 : i32 to vector<256x1xi32>
    %add3A_355 = arith.addi %add3A_354, %iota3A_352 : vector<256x1xi32>
    %eq3A_356 = arith.cmpi eq, %broadcast_in_dim3A_351, %add3A_355 : vector<256x1xi32>
    %get3A_357 = arith.constant 768 : index
    %get3A_358 = arith.constant 0 : index
    %get3A_359 = vector.load %arg7[%get3A_357, %get3A_358] : memref<2048x1xf32, #tpu.memory_space<vmem>>, vector<256x1xf32>
    %abs3A_360 = math.absf %get3A_359 : vector<256x1xf32>
    %neg3A_361 = arith.constant 0.000000e+00 : f32
    %neg3A_362 = vector.broadcast %neg3A_361 : f32 to vector<256x1xf32>
    %neg3A_363 = arith.subf %neg3A_362, %abs3A_360 : vector<256x1xf32>
    %exp3A_364 = math.exp %neg3A_363 : vector<256x1xf32>
    %max3A_365 = arith.constant 0.000000e+00 : f32
    %max3A_366 = vector.broadcast %max3A_365 : f32 to vector<256x1xf32>
    %max3A_367 = arith.maximumf %get3A_359, %max3A_366 : vector<256x1xf32>
    %add3A_368 = arith.constant 1.000000e+00 : f32
    %add3A_369 = vector.broadcast %add3A_368 : f32 to vector<256x1xf32>
    %add3A_370 = arith.addf %add3A_369, %exp3A_364 : vector<256x1xf32>
    %log3A_371 = math.log %add3A_370 : vector<256x1xf32>
    %add3A_372 = arith.addf %max3A_367, %log3A_371 : vector<256x1xf32>
    %ge3A_373 = arith.constant 0.000000e+00 : f32
    %ge3A_374 = vector.broadcast %ge3A_373 : f32 to vector<256x1xf32>
    %ge3A_375 = arith.cmpf oge, %get3A_359, %ge3A_374 : vector<256x1xf32>
    %add3A_376 = arith.constant 1.000000e+00 : f32
    %add3A_377 = vector.broadcast %add3A_376 : f32 to vector<256x1xf32>
    %add3A_378 = arith.addf %add3A_377, %exp3A_364 : vector<256x1xf32>
    %div3A_379 = arith.constant 1.000000e+00 : f32
    %div3A_380 = vector.broadcast %div3A_379 : f32 to vector<256x1xf32>
    %div3A_381 = arith.divf %div3A_380, %add3A_378 : vector<256x1xf32>
    %add3A_382 = arith.constant 1.000000e+00 : f32
    %add3A_383 = vector.broadcast %add3A_382 : f32 to vector<256x1xf32>
    %add3A_384 = arith.addf %add3A_383, %exp3A_364 : vector<256x1xf32>
    %div3A_385 = arith.divf %exp3A_364, %add3A_384 : vector<256x1xf32>
    %select_n3A_386 = arith.select %ge3A_375, %div3A_381, %div3A_385 : vector<256x1xi1>, vector<256x1xf32>
    %sub3A_387 = arith.subf %select_n3A_386, %broadcast_in_dim3A_342 : vector<256x1xf32>
    %mul3A_388 = arith.mulf %get3A_359, %broadcast_in_dim3A_342 : vector<256x1xf32>
    %sub3A_389 = arith.subf %add3A_372, %mul3A_388 : vector<256x1xf32>
    %mul3A_390 = arith.mulf %sub3A_389, %sub3A_387 : vector<256x1xf32>
    %mul3A_391 = arith.mulf %mul3A_390, %sub3A_387 : vector<256x1xf32>
    %mul3A_392 = arith.mulf %add3A_372, %select_n3A_386 : vector<256x1xf32>
    %mul3A_393 = arith.mulf %mul3A_392, %select_n3A_386 : vector<256x1xf32>
    %sub3A_394 = arith.subf %mul3A_391, %mul3A_393 : vector<256x1xf32>
    %jit3A_395 = arith.constant 0.000000e+00 : f32
    %broadcast_in_dim3A_396 = vector.broadcast %jit3A_395 : f32 to vector<256x1xf32>
    %select_n3A_397 = arith.select %eq3A_356, %sub3A_394, %broadcast_in_dim3A_396 : vector<256x1xi1>, vector<256x1xf32>
    %reduce_sum3A_398 = vector.shape_cast %select_n3A_397 : vector<256x1xf32> to vector<1x256x1xf32>
    %reduce_sum3A_399 = arith.constant dense<0.000000e+00> : vector<1xf32>
    %reduce_sum3A_400 = vector.multi_reduction <add>, %reduce_sum3A_398, %reduce_sum3A_399 [1, 2] : vector<1x256x1xf32> to vector<1xf32>
    %reduce_sum3A_401 = vector.shape_cast %reduce_sum3A_400 : vector<1xf32> to vector<1x1x1xf32>
    %reduce_sum3A_402 = vector.extract %reduce_sum3A_401[0, 0, 0] : f32 from vector<1x1x1xf32>
    %reshape3A_403 = vector.broadcast %reduce_sum3A_402 : f32 to vector<1x1xf32>
    %add3A_404 = arith.addf %add3A_303, %reshape3A_403 : vector<1x1xf32>
    %get3A_405 = arith.constant 1024 : index
    %get3A_406 = arith.constant 0 : index
    %get3A_407 = vector.load %arg0[%get3A_405, %get3A_406] : memref<2048x1xi32, #tpu.memory_space<vmem>>, vector<256x1xi32>
    %mul3A_408 = arith.constant 4096 : i32
    %mul3A_409 = vector.broadcast %mul3A_408 : i32 to vector<256x1xi32>
    %mul3A_410 = arith.muli %get3A_407, %mul3A_409 : vector<256x1xi32>
    %get3A_411 = arith.constant 1024 : index
    %get3A_412 = arith.constant 0 : index
    %get3A_413 = vector.load %arg1[%get3A_411, %get3A_412] : memref<2048x1xi32, #tpu.memory_space<vmem>>, vector<256x1xi32>
    %add3A_414 = arith.addi %mul3A_410, %get3A_413 : vector<256x1xi32>
    %mul3A_415 = arith.constant 80 : i32
    %mul3A_416 = vector.broadcast %mul3A_415 : i32 to vector<256x1xi32>
    %mul3A_417 = arith.muli %add3A_414, %mul3A_416 : vector<256x1xi32>
    %get3A_418 = arith.constant 1024 : index
    %get3A_419 = arith.constant 0 : index
    %get3A_420 = vector.load %arg2[%get3A_418, %get3A_419] : memref<2048x1xi32, #tpu.memory_space<vmem>>, vector<256x1xi32>
    %add3A_421 = arith.addi %mul3A_417, %get3A_420 : vector<256x1xi32>
    %eq3A_422 = vector.broadcast %add3A_414 : vector<256x1xi32> to vector<256x2048xi32>
    %eq3A_423 = vector.broadcast %add3A : vector<1x2048xi32> to vector<256x2048xi32>
    %eq3A_424 = arith.cmpi eq, %eq3A_422, %eq3A_423 : vector<256x2048xi32>
    %jit3A_425 = arith.constant -1 : i32
    %broadcast_in_dim3A_426 = vector.broadcast %jit3A_425 : i32 to vector<256x2048xi32>
    %select_n3A_427 = arith.select %eq3A_424, %iota3A, %broadcast_in_dim3A_426 : vector<256x2048xi1>, vector<256x2048xi32>
    %reduce_max3A_428 = arith.constant dense<-2147483648> : vector<256xi32>
    %reduce_max3A_429 = vector.multi_reduction <maxsi>, %select_n3A_427, %reduce_max3A_428 [1] : vector<256x2048xi32> to vector<256xi32>
    %broadcast_in_dim3A_430 = vector.shape_cast %reduce_max3A_429 : vector<256xi32> to vector<256x1xi32>
    %eq3A_431 = vector.broadcast %broadcast_in_dim3A_430 : vector<256x1xi32> to vector<256x2048xi32>
    %eq3A_432 = arith.cmpi eq, %iota3A, %eq3A_431 : vector<256x2048xi32>
    %get3A_433 = arith.constant 0 : index
    %get3A_434 = arith.constant 0 : index
    %get3A_435 = vector.load %arg6[%get3A_433, %get3A_434] : memref<1x2048xf32, #tpu.memory_space<vmem>>, vector<1x2048xf32>
    %jit3A_436 = arith.constant 0.000000e+00 : f32
    %broadcast_in_dim3A_437 = vector.shape_cast %get3A_435 : vector<1x2048xf32> to vector<1x2048xf32>
    %broadcast_in_dim3A_438 = vector.broadcast %broadcast_in_dim3A_437 : vector<1x2048xf32> to vector<256x2048xf32>
    %broadcast_in_dim3A_439 = vector.broadcast %jit3A_436 : f32 to vector<256x2048xf32>
    %select_n3A_440 = arith.select %eq3A_432, %broadcast_in_dim3A_438, %broadcast_in_dim3A_439 : vector<256x2048xi1>, vector<256x2048xf32>
    %reduce_sum3A_441 = arith.constant dense<0.000000e+00> : vector<256xf32>
    %reduce_sum3A_442 = vector.multi_reduction <add>, %select_n3A_440, %reduce_sum3A_441 [1] : vector<256x2048xf32> to vector<256xf32>
    %broadcast_in_dim3A_443 = vector.shape_cast %reduce_sum3A_442 : vector<256xf32> to vector<256x1xf32>
    %eq3A_444 = vector.broadcast %add3A_421 : vector<256x1xi32> to vector<256x2048xi32>
    %eq3A_445 = vector.broadcast %add3A_13 : vector<1x2048xi32> to vector<256x2048xi32>
    %eq3A_446 = arith.cmpi eq, %eq3A_444, %eq3A_445 : vector<256x2048xi32>
    %jit3A_447 = arith.constant -1 : i32
    %broadcast_in_dim3A_448 = vector.broadcast %jit3A_447 : i32 to vector<256x2048xi32>
    %select_n3A_449 = arith.select %eq3A_446, %iota3A, %broadcast_in_dim3A_448 : vector<256x2048xi1>, vector<256x2048xi32>
    %reduce_max3A_450 = arith.constant dense<-2147483648> : vector<256xi32>
    %reduce_max3A_451 = vector.multi_reduction <maxsi>, %select_n3A_449, %reduce_max3A_450 [1] : vector<256x2048xi32> to vector<256xi32>
    %broadcast_in_dim3A_452 = vector.shape_cast %reduce_max3A_451 : vector<256xi32> to vector<256x1xi32>
    %iota3A_453 = tpu.iota {dimensions = array<i32: 0>} : vector<256x1xi32>
    %add3A_454 = arith.constant 1024 : i32
    %add3A_455 = vector.broadcast %add3A_454 : i32 to vector<256x1xi32>
    %add3A_456 = arith.addi %add3A_455, %iota3A_453 : vector<256x1xi32>
    %eq3A_457 = arith.cmpi eq, %broadcast_in_dim3A_452, %add3A_456 : vector<256x1xi32>
    %get3A_458 = arith.constant 1024 : index
    %get3A_459 = arith.constant 0 : index
    %get3A_460 = vector.load %arg7[%get3A_458, %get3A_459] : memref<2048x1xf32, #tpu.memory_space<vmem>>, vector<256x1xf32>
    %abs3A_461 = math.absf %get3A_460 : vector<256x1xf32>
    %neg3A_462 = arith.constant 0.000000e+00 : f32
    %neg3A_463 = vector.broadcast %neg3A_462 : f32 to vector<256x1xf32>
    %neg3A_464 = arith.subf %neg3A_463, %abs3A_461 : vector<256x1xf32>
    %exp3A_465 = math.exp %neg3A_464 : vector<256x1xf32>
    %max3A_466 = arith.constant 0.000000e+00 : f32
    %max3A_467 = vector.broadcast %max3A_466 : f32 to vector<256x1xf32>
    %max3A_468 = arith.maximumf %get3A_460, %max3A_467 : vector<256x1xf32>
    %add3A_469 = arith.constant 1.000000e+00 : f32
    %add3A_470 = vector.broadcast %add3A_469 : f32 to vector<256x1xf32>
    %add3A_471 = arith.addf %add3A_470, %exp3A_465 : vector<256x1xf32>
    %log3A_472 = math.log %add3A_471 : vector<256x1xf32>
    %add3A_473 = arith.addf %max3A_468, %log3A_472 : vector<256x1xf32>
    %ge3A_474 = arith.constant 0.000000e+00 : f32
    %ge3A_475 = vector.broadcast %ge3A_474 : f32 to vector<256x1xf32>
    %ge3A_476 = arith.cmpf oge, %get3A_460, %ge3A_475 : vector<256x1xf32>
    %add3A_477 = arith.constant 1.000000e+00 : f32
    %add3A_478 = vector.broadcast %add3A_477 : f32 to vector<256x1xf32>
    %add3A_479 = arith.addf %add3A_478, %exp3A_465 : vector<256x1xf32>
    %div3A_480 = arith.constant 1.000000e+00 : f32
    %div3A_481 = vector.broadcast %div3A_480 : f32 to vector<256x1xf32>
    %div3A_482 = arith.divf %div3A_481, %add3A_479 : vector<256x1xf32>
    %add3A_483 = arith.constant 1.000000e+00 : f32
    %add3A_484 = vector.broadcast %add3A_483 : f32 to vector<256x1xf32>
    %add3A_485 = arith.addf %add3A_484, %exp3A_465 : vector<256x1xf32>
    %div3A_486 = arith.divf %exp3A_465, %add3A_485 : vector<256x1xf32>
    %select_n3A_487 = arith.select %ge3A_476, %div3A_482, %div3A_486 : vector<256x1xi1>, vector<256x1xf32>
    %sub3A_488 = arith.subf %select_n3A_487, %broadcast_in_dim3A_443 : vector<256x1xf32>
    %mul3A_489 = arith.mulf %get3A_460, %broadcast_in_dim3A_443 : vector<256x1xf32>
    %sub3A_490 = arith.subf %add3A_473, %mul3A_489 : vector<256x1xf32>
    %mul3A_491 = arith.mulf %sub3A_490, %sub3A_488 : vector<256x1xf32>
    %mul3A_492 = arith.mulf %mul3A_491, %sub3A_488 : vector<256x1xf32>
    %mul3A_493 = arith.mulf %add3A_473, %select_n3A_487 : vector<256x1xf32>
    %mul3A_494 = arith.mulf %mul3A_493, %select_n3A_487 : vector<256x1xf32>
    %sub3A_495 = arith.subf %mul3A_492, %mul3A_494 : vector<256x1xf32>
    %jit3A_496 = arith.constant 0.000000e+00 : f32
    %broadcast_in_dim3A_497 = vector.broadcast %jit3A_496 : f32 to vector<256x1xf32>
    %select_n3A_498 = arith.select %eq3A_457, %sub3A_495, %broadcast_in_dim3A_497 : vector<256x1xi1>, vector<256x1xf32>
    %reduce_sum3A_499 = vector.shape_cast %select_n3A_498 : vector<256x1xf32> to vector<1x256x1xf32>
    %reduce_sum3A_500 = arith.constant dense<0.000000e+00> : vector<1xf32>
    %reduce_sum3A_501 = vector.multi_reduction <add>, %reduce_sum3A_499, %reduce_sum3A_500 [1, 2] : vector<1x256x1xf32> to vector<1xf32>
    %reduce_sum3A_502 = vector.shape_cast %reduce_sum3A_501 : vector<1xf32> to vector<1x1x1xf32>
    %reduce_sum3A_503 = vector.extract %reduce_sum3A_502[0, 0, 0] : f32 from vector<1x1x1xf32>
    %reshape3A_504 = vector.broadcast %reduce_sum3A_503 : f32 to vector<1x1xf32>
    %add3A_505 = arith.addf %add3A_404, %reshape3A_504 : vector<1x1xf32>
    %get3A_506 = arith.constant 1280 : index
    %get3A_507 = arith.constant 0 : index
    %get3A_508 = vector.load %arg0[%get3A_506, %get3A_507] : memref<2048x1xi32, #tpu.memory_space<vmem>>, vector<256x1xi32>
    %mul3A_509 = arith.constant 4096 : i32
    %mul3A_510 = vector.broadcast %mul3A_509 : i32 to vector<256x1xi32>
    %mul3A_511 = arith.muli %get3A_508, %mul3A_510 : vector<256x1xi32>
    %get3A_512 = arith.constant 1280 : index
    %get3A_513 = arith.constant 0 : index
    %get3A_514 = vector.load %arg1[%get3A_512, %get3A_513] : memref<2048x1xi32, #tpu.memory_space<vmem>>, vector<256x1xi32>
    %add3A_515 = arith.addi %mul3A_511, %get3A_514 : vector<256x1xi32>
    %mul3A_516 = arith.constant 80 : i32
    %mul3A_517 = vector.broadcast %mul3A_516 : i32 to vector<256x1xi32>
    %mul3A_518 = arith.muli %add3A_515, %mul3A_517 : vector<256x1xi32>
    %get3A_519 = arith.constant 1280 : index
    %get3A_520 = arith.constant 0 : index
    %get3A_521 = vector.load %arg2[%get3A_519, %get3A_520] : memref<2048x1xi32, #tpu.memory_space<vmem>>, vector<256x1xi32>
    %add3A_522 = arith.addi %mul3A_518, %get3A_521 : vector<256x1xi32>
    %eq3A_523 = vector.broadcast %add3A_515 : vector<256x1xi32> to vector<256x2048xi32>
    %eq3A_524 = vector.broadcast %add3A : vector<1x2048xi32> to vector<256x2048xi32>
    %eq3A_525 = arith.cmpi eq, %eq3A_523, %eq3A_524 : vector<256x2048xi32>
    %jit3A_526 = arith.constant -1 : i32
    %broadcast_in_dim3A_527 = vector.broadcast %jit3A_526 : i32 to vector<256x2048xi32>
    %select_n3A_528 = arith.select %eq3A_525, %iota3A, %broadcast_in_dim3A_527 : vector<256x2048xi1>, vector<256x2048xi32>
    %reduce_max3A_529 = arith.constant dense<-2147483648> : vector<256xi32>
    %reduce_max3A_530 = vector.multi_reduction <maxsi>, %select_n3A_528, %reduce_max3A_529 [1] : vector<256x2048xi32> to vector<256xi32>
    %broadcast_in_dim3A_531 = vector.shape_cast %reduce_max3A_530 : vector<256xi32> to vector<256x1xi32>
    %eq3A_532 = vector.broadcast %broadcast_in_dim3A_531 : vector<256x1xi32> to vector<256x2048xi32>
    %eq3A_533 = arith.cmpi eq, %iota3A, %eq3A_532 : vector<256x2048xi32>
    %get3A_534 = arith.constant 0 : index
    %get3A_535 = arith.constant 0 : index
    %get3A_536 = vector.load %arg6[%get3A_534, %get3A_535] : memref<1x2048xf32, #tpu.memory_space<vmem>>, vector<1x2048xf32>
    %jit3A_537 = arith.constant 0.000000e+00 : f32
    %broadcast_in_dim3A_538 = vector.shape_cast %get3A_536 : vector<1x2048xf32> to vector<1x2048xf32>
    %broadcast_in_dim3A_539 = vector.broadcast %broadcast_in_dim3A_538 : vector<1x2048xf32> to vector<256x2048xf32>
    %broadcast_in_dim3A_540 = vector.broadcast %jit3A_537 : f32 to vector<256x2048xf32>
    %select_n3A_541 = arith.select %eq3A_533, %broadcast_in_dim3A_539, %broadcast_in_dim3A_540 : vector<256x2048xi1>, vector<256x2048xf32>
    %reduce_sum3A_542 = arith.constant dense<0.000000e+00> : vector<256xf32>
    %reduce_sum3A_543 = vector.multi_reduction <add>, %select_n3A_541, %reduce_sum3A_542 [1] : vector<256x2048xf32> to vector<256xf32>
    %broadcast_in_dim3A_544 = vector.shape_cast %reduce_sum3A_543 : vector<256xf32> to vector<256x1xf32>
    %eq3A_545 = vector.broadcast %add3A_522 : vector<256x1xi32> to vector<256x2048xi32>
    %eq3A_546 = vector.broadcast %add3A_13 : vector<1x2048xi32> to vector<256x2048xi32>
    %eq3A_547 = arith.cmpi eq, %eq3A_545, %eq3A_546 : vector<256x2048xi32>
    %jit3A_548 = arith.constant -1 : i32
    %broadcast_in_dim3A_549 = vector.broadcast %jit3A_548 : i32 to vector<256x2048xi32>
    %select_n3A_550 = arith.select %eq3A_547, %iota3A, %broadcast_in_dim3A_549 : vector<256x2048xi1>, vector<256x2048xi32>
    %reduce_max3A_551 = arith.constant dense<-2147483648> : vector<256xi32>
    %reduce_max3A_552 = vector.multi_reduction <maxsi>, %select_n3A_550, %reduce_max3A_551 [1] : vector<256x2048xi32> to vector<256xi32>
    %broadcast_in_dim3A_553 = vector.shape_cast %reduce_max3A_552 : vector<256xi32> to vector<256x1xi32>
    %iota3A_554 = tpu.iota {dimensions = array<i32: 0>} : vector<256x1xi32>
    %add3A_555 = arith.constant 1280 : i32
    %add3A_556 = vector.broadcast %add3A_555 : i32 to vector<256x1xi32>
    %add3A_557 = arith.addi %add3A_556, %iota3A_554 : vector<256x1xi32>
    %eq3A_558 = arith.cmpi eq, %broadcast_in_dim3A_553, %add3A_557 : vector<256x1xi32>
    %get3A_559 = arith.constant 1280 : index
    %get3A_560 = arith.constant 0 : index
    %get3A_561 = vector.load %arg7[%get3A_559, %get3A_560] : memref<2048x1xf32, #tpu.memory_space<vmem>>, vector<256x1xf32>
    %abs3A_562 = math.absf %get3A_561 : vector<256x1xf32>
    %neg3A_563 = arith.constant 0.000000e+00 : f32
    %neg3A_564 = vector.broadcast %neg3A_563 : f32 to vector<256x1xf32>
    %neg3A_565 = arith.subf %neg3A_564, %abs3A_562 : vector<256x1xf32>
    %exp3A_566 = math.exp %neg3A_565 : vector<256x1xf32>
    %max3A_567 = arith.constant 0.000000e+00 : f32
    %max3A_568 = vector.broadcast %max3A_567 : f32 to vector<256x1xf32>
    %max3A_569 = arith.maximumf %get3A_561, %max3A_568 : vector<256x1xf32>
    %add3A_570 = arith.constant 1.000000e+00 : f32
    %add3A_571 = vector.broadcast %add3A_570 : f32 to vector<256x1xf32>
    %add3A_572 = arith.addf %add3A_571, %exp3A_566 : vector<256x1xf32>
    %log3A_573 = math.log %add3A_572 : vector<256x1xf32>
    %add3A_574 = arith.addf %max3A_569, %log3A_573 : vector<256x1xf32>
    %ge3A_575 = arith.constant 0.000000e+00 : f32
    %ge3A_576 = vector.broadcast %ge3A_575 : f32 to vector<256x1xf32>
    %ge3A_577 = arith.cmpf oge, %get3A_561, %ge3A_576 : vector<256x1xf32>
    %add3A_578 = arith.constant 1.000000e+00 : f32
    %add3A_579 = vector.broadcast %add3A_578 : f32 to vector<256x1xf32>
    %add3A_580 = arith.addf %add3A_579, %exp3A_566 : vector<256x1xf32>
    %div3A_581 = arith.constant 1.000000e+00 : f32
    %div3A_582 = vector.broadcast %div3A_581 : f32 to vector<256x1xf32>
    %div3A_583 = arith.divf %div3A_582, %add3A_580 : vector<256x1xf32>
    %add3A_584 = arith.constant 1.000000e+00 : f32
    %add3A_585 = vector.broadcast %add3A_584 : f32 to vector<256x1xf32>
    %add3A_586 = arith.addf %add3A_585, %exp3A_566 : vector<256x1xf32>
    %div3A_587 = arith.divf %exp3A_566, %add3A_586 : vector<256x1xf32>
    %select_n3A_588 = arith.select %ge3A_577, %div3A_583, %div3A_587 : vector<256x1xi1>, vector<256x1xf32>
    %sub3A_589 = arith.subf %select_n3A_588, %broadcast_in_dim3A_544 : vector<256x1xf32>
    %mul3A_590 = arith.mulf %get3A_561, %broadcast_in_dim3A_544 : vector<256x1xf32>
    %sub3A_591 = arith.subf %add3A_574, %mul3A_590 : vector<256x1xf32>
    %mul3A_592 = arith.mulf %sub3A_591, %sub3A_589 : vector<256x1xf32>
    %mul3A_593 = arith.mulf %mul3A_592, %sub3A_589 : vector<256x1xf32>
    %mul3A_594 = arith.mulf %add3A_574, %select_n3A_588 : vector<256x1xf32>
    %mul3A_595 = arith.mulf %mul3A_594, %select_n3A_588 : vector<256x1xf32>
    %sub3A_596 = arith.subf %mul3A_593, %mul3A_595 : vector<256x1xf32>
    %jit3A_597 = arith.constant 0.000000e+00 : f32
    %broadcast_in_dim3A_598 = vector.broadcast %jit3A_597 : f32 to vector<256x1xf32>
    %select_n3A_599 = arith.select %eq3A_558, %sub3A_596, %broadcast_in_dim3A_598 : vector<256x1xi1>, vector<256x1xf32>
    %reduce_sum3A_600 = vector.shape_cast %select_n3A_599 : vector<256x1xf32> to vector<1x256x1xf32>
    %reduce_sum3A_601 = arith.constant dense<0.000000e+00> : vector<1xf32>
    %reduce_sum3A_602 = vector.multi_reduction <add>, %reduce_sum3A_600, %reduce_sum3A_601 [1, 2] : vector<1x256x1xf32> to vector<1xf32>
    %reduce_sum3A_603 = vector.shape_cast %reduce_sum3A_602 : vector<1xf32> to vector<1x1x1xf32>
    %reduce_sum3A_604 = vector.extract %reduce_sum3A_603[0, 0, 0] : f32 from vector<1x1x1xf32>
    %reshape3A_605 = vector.broadcast %reduce_sum3A_604 : f32 to vector<1x1xf32>
    %add3A_606 = arith.addf %add3A_505, %reshape3A_605 : vector<1x1xf32>
    %get3A_607 = arith.constant 1536 : index
    %get3A_608 = arith.constant 0 : index
    %get3A_609 = vector.load %arg0[%get3A_607, %get3A_608] : memref<2048x1xi32, #tpu.memory_space<vmem>>, vector<256x1xi32>
    %mul3A_610 = arith.constant 4096 : i32
    %mul3A_611 = vector.broadcast %mul3A_610 : i32 to vector<256x1xi32>
    %mul3A_612 = arith.muli %get3A_609, %mul3A_611 : vector<256x1xi32>
    %get3A_613 = arith.constant 1536 : index
    %get3A_614 = arith.constant 0 : index
    %get3A_615 = vector.load %arg1[%get3A_613, %get3A_614] : memref<2048x1xi32, #tpu.memory_space<vmem>>, vector<256x1xi32>
    %add3A_616 = arith.addi %mul3A_612, %get3A_615 : vector<256x1xi32>
    %mul3A_617 = arith.constant 80 : i32
    %mul3A_618 = vector.broadcast %mul3A_617 : i32 to vector<256x1xi32>
    %mul3A_619 = arith.muli %add3A_616, %mul3A_618 : vector<256x1xi32>
    %get3A_620 = arith.constant 1536 : index
    %get3A_621 = arith.constant 0 : index
    %get3A_622 = vector.load %arg2[%get3A_620, %get3A_621] : memref<2048x1xi32, #tpu.memory_space<vmem>>, vector<256x1xi32>
    %add3A_623 = arith.addi %mul3A_619, %get3A_622 : vector<256x1xi32>
    %eq3A_624 = vector.broadcast %add3A_616 : vector<256x1xi32> to vector<256x2048xi32>
    %eq3A_625 = vector.broadcast %add3A : vector<1x2048xi32> to vector<256x2048xi32>
    %eq3A_626 = arith.cmpi eq, %eq3A_624, %eq3A_625 : vector<256x2048xi32>
    %jit3A_627 = arith.constant -1 : i32
    %broadcast_in_dim3A_628 = vector.broadcast %jit3A_627 : i32 to vector<256x2048xi32>
    %select_n3A_629 = arith.select %eq3A_626, %iota3A, %broadcast_in_dim3A_628 : vector<256x2048xi1>, vector<256x2048xi32>
    %reduce_max3A_630 = arith.constant dense<-2147483648> : vector<256xi32>
    %reduce_max3A_631 = vector.multi_reduction <maxsi>, %select_n3A_629, %reduce_max3A_630 [1] : vector<256x2048xi32> to vector<256xi32>
    %broadcast_in_dim3A_632 = vector.shape_cast %reduce_max3A_631 : vector<256xi32> to vector<256x1xi32>
    %eq3A_633 = vector.broadcast %broadcast_in_dim3A_632 : vector<256x1xi32> to vector<256x2048xi32>
    %eq3A_634 = arith.cmpi eq, %iota3A, %eq3A_633 : vector<256x2048xi32>
    %get3A_635 = arith.constant 0 : index
    %get3A_636 = arith.constant 0 : index
    %get3A_637 = vector.load %arg6[%get3A_635, %get3A_636] : memref<1x2048xf32, #tpu.memory_space<vmem>>, vector<1x2048xf32>
    %jit3A_638 = arith.constant 0.000000e+00 : f32
    %broadcast_in_dim3A_639 = vector.shape_cast %get3A_637 : vector<1x2048xf32> to vector<1x2048xf32>
    %broadcast_in_dim3A_640 = vector.broadcast %broadcast_in_dim3A_639 : vector<1x2048xf32> to vector<256x2048xf32>
    %broadcast_in_dim3A_641 = vector.broadcast %jit3A_638 : f32 to vector<256x2048xf32>
    %select_n3A_642 = arith.select %eq3A_634, %broadcast_in_dim3A_640, %broadcast_in_dim3A_641 : vector<256x2048xi1>, vector<256x2048xf32>
    %reduce_sum3A_643 = arith.constant dense<0.000000e+00> : vector<256xf32>
    %reduce_sum3A_644 = vector.multi_reduction <add>, %select_n3A_642, %reduce_sum3A_643 [1] : vector<256x2048xf32> to vector<256xf32>
    %broadcast_in_dim3A_645 = vector.shape_cast %reduce_sum3A_644 : vector<256xf32> to vector<256x1xf32>
    %eq3A_646 = vector.broadcast %add3A_623 : vector<256x1xi32> to vector<256x2048xi32>
    %eq3A_647 = vector.broadcast %add3A_13 : vector<1x2048xi32> to vector<256x2048xi32>
    %eq3A_648 = arith.cmpi eq, %eq3A_646, %eq3A_647 : vector<256x2048xi32>
    %jit3A_649 = arith.constant -1 : i32
    %broadcast_in_dim3A_650 = vector.broadcast %jit3A_649 : i32 to vector<256x2048xi32>
    %select_n3A_651 = arith.select %eq3A_648, %iota3A, %broadcast_in_dim3A_650 : vector<256x2048xi1>, vector<256x2048xi32>
    %reduce_max3A_652 = arith.constant dense<-2147483648> : vector<256xi32>
    %reduce_max3A_653 = vector.multi_reduction <maxsi>, %select_n3A_651, %reduce_max3A_652 [1] : vector<256x2048xi32> to vector<256xi32>
    %broadcast_in_dim3A_654 = vector.shape_cast %reduce_max3A_653 : vector<256xi32> to vector<256x1xi32>
    %iota3A_655 = tpu.iota {dimensions = array<i32: 0>} : vector<256x1xi32>
    %add3A_656 = arith.constant 1536 : i32
    %add3A_657 = vector.broadcast %add3A_656 : i32 to vector<256x1xi32>
    %add3A_658 = arith.addi %add3A_657, %iota3A_655 : vector<256x1xi32>
    %eq3A_659 = arith.cmpi eq, %broadcast_in_dim3A_654, %add3A_658 : vector<256x1xi32>
    %get3A_660 = arith.constant 1536 : index
    %get3A_661 = arith.constant 0 : index
    %get3A_662 = vector.load %arg7[%get3A_660, %get3A_661] : memref<2048x1xf32, #tpu.memory_space<vmem>>, vector<256x1xf32>
    %abs3A_663 = math.absf %get3A_662 : vector<256x1xf32>
    %neg3A_664 = arith.constant 0.000000e+00 : f32
    %neg3A_665 = vector.broadcast %neg3A_664 : f32 to vector<256x1xf32>
    %neg3A_666 = arith.subf %neg3A_665, %abs3A_663 : vector<256x1xf32>
    %exp3A_667 = math.exp %neg3A_666 : vector<256x1xf32>
    %max3A_668 = arith.constant 0.000000e+00 : f32
    %max3A_669 = vector.broadcast %max3A_668 : f32 to vector<256x1xf32>
    %max3A_670 = arith.maximumf %get3A_662, %max3A_669 : vector<256x1xf32>
    %add3A_671 = arith.constant 1.000000e+00 : f32
    %add3A_672 = vector.broadcast %add3A_671 : f32 to vector<256x1xf32>
    %add3A_673 = arith.addf %add3A_672, %exp3A_667 : vector<256x1xf32>
    %log3A_674 = math.log %add3A_673 : vector<256x1xf32>
    %add3A_675 = arith.addf %max3A_670, %log3A_674 : vector<256x1xf32>
    %ge3A_676 = arith.constant 0.000000e+00 : f32
    %ge3A_677 = vector.broadcast %ge3A_676 : f32 to vector<256x1xf32>
    %ge3A_678 = arith.cmpf oge, %get3A_662, %ge3A_677 : vector<256x1xf32>
    %add3A_679 = arith.constant 1.000000e+00 : f32
    %add3A_680 = vector.broadcast %add3A_679 : f32 to vector<256x1xf32>
    %add3A_681 = arith.addf %add3A_680, %exp3A_667 : vector<256x1xf32>
    %div3A_682 = arith.constant 1.000000e+00 : f32
    %div3A_683 = vector.broadcast %div3A_682 : f32 to vector<256x1xf32>
    %div3A_684 = arith.divf %div3A_683, %add3A_681 : vector<256x1xf32>
    %add3A_685 = arith.constant 1.000000e+00 : f32
    %add3A_686 = vector.broadcast %add3A_685 : f32 to vector<256x1xf32>
    %add3A_687 = arith.addf %add3A_686, %exp3A_667 : vector<256x1xf32>
    %div3A_688 = arith.divf %exp3A_667, %add3A_687 : vector<256x1xf32>
    %select_n3A_689 = arith.select %ge3A_678, %div3A_684, %div3A_688 : vector<256x1xi1>, vector<256x1xf32>
    %sub3A_690 = arith.subf %select_n3A_689, %broadcast_in_dim3A_645 : vector<256x1xf32>
    %mul3A_691 = arith.mulf %get3A_662, %broadcast_in_dim3A_645 : vector<256x1xf32>
    %sub3A_692 = arith.subf %add3A_675, %mul3A_691 : vector<256x1xf32>
    %mul3A_693 = arith.mulf %sub3A_692, %sub3A_690 : vector<256x1xf32>
    %mul3A_694 = arith.mulf %mul3A_693, %sub3A_690 : vector<256x1xf32>
    %mul3A_695 = arith.mulf %add3A_675, %select_n3A_689 : vector<256x1xf32>
    %mul3A_696 = arith.mulf %mul3A_695, %select_n3A_689 : vector<256x1xf32>
    %sub3A_697 = arith.subf %mul3A_694, %mul3A_696 : vector<256x1xf32>
    %jit3A_698 = arith.constant 0.000000e+00 : f32
    %broadcast_in_dim3A_699 = vector.broadcast %jit3A_698 : f32 to vector<256x1xf32>
    %select_n3A_700 = arith.select %eq3A_659, %sub3A_697, %broadcast_in_dim3A_699 : vector<256x1xi1>, vector<256x1xf32>
    %reduce_sum3A_701 = vector.shape_cast %select_n3A_700 : vector<256x1xf32> to vector<1x256x1xf32>
    %reduce_sum3A_702 = arith.constant dense<0.000000e+00> : vector<1xf32>
    %reduce_sum3A_703 = vector.multi_reduction <add>, %reduce_sum3A_701, %reduce_sum3A_702 [1, 2] : vector<1x256x1xf32> to vector<1xf32>
    %reduce_sum3A_704 = vector.shape_cast %reduce_sum3A_703 : vector<1xf32> to vector<1x1x1xf32>
    %reduce_sum3A_705 = vector.extract %reduce_sum3A_704[0, 0, 0] : f32 from vector<1x1x1xf32>
    %reshape3A_706 = vector.broadcast %reduce_sum3A_705 : f32 to vector<1x1xf32>
    %add3A_707 = arith.addf %add3A_606, %reshape3A_706 : vector<1x1xf32>
    %get3A_708 = arith.constant 1792 : index
    %get3A_709 = arith.constant 0 : index
    %get3A_710 = vector.load %arg0[%get3A_708, %get3A_709] : memref<2048x1xi32, #tpu.memory_space<vmem>>, vector<256x1xi32>
    %mul3A_711 = arith.constant 4096 : i32
    %mul3A_712 = vector.broadcast %mul3A_711 : i32 to vector<256x1xi32>
    %mul3A_713 = arith.muli %get3A_710, %mul3A_712 : vector<256x1xi32>
    %get3A_714 = arith.constant 1792 : index
    %get3A_715 = arith.constant 0 : index
    %get3A_716 = vector.load %arg1[%get3A_714, %get3A_715] : memref<2048x1xi32, #tpu.memory_space<vmem>>, vector<256x1xi32>
    %add3A_717 = arith.addi %mul3A_713, %get3A_716 : vector<256x1xi32>
    %mul3A_718 = arith.constant 80 : i32
    %mul3A_719 = vector.broadcast %mul3A_718 : i32 to vector<256x1xi32>
    %mul3A_720 = arith.muli %add3A_717, %mul3A_719 : vector<256x1xi32>
    %get3A_721 = arith.constant 1792 : index
    %get3A_722 = arith.constant 0 : index
    %get3A_723 = vector.load %arg2[%get3A_721, %get3A_722] : memref<2048x1xi32, #tpu.memory_space<vmem>>, vector<256x1xi32>
    %add3A_724 = arith.addi %mul3A_720, %get3A_723 : vector<256x1xi32>
    %eq3A_725 = vector.broadcast %add3A_717 : vector<256x1xi32> to vector<256x2048xi32>
    %eq3A_726 = vector.broadcast %add3A : vector<1x2048xi32> to vector<256x2048xi32>
    %eq3A_727 = arith.cmpi eq, %eq3A_725, %eq3A_726 : vector<256x2048xi32>
    %jit3A_728 = arith.constant -1 : i32
    %broadcast_in_dim3A_729 = vector.broadcast %jit3A_728 : i32 to vector<256x2048xi32>
    %select_n3A_730 = arith.select %eq3A_727, %iota3A, %broadcast_in_dim3A_729 : vector<256x2048xi1>, vector<256x2048xi32>
    %reduce_max3A_731 = arith.constant dense<-2147483648> : vector<256xi32>
    %reduce_max3A_732 = vector.multi_reduction <maxsi>, %select_n3A_730, %reduce_max3A_731 [1] : vector<256x2048xi32> to vector<256xi32>
    %broadcast_in_dim3A_733 = vector.shape_cast %reduce_max3A_732 : vector<256xi32> to vector<256x1xi32>
    %eq3A_734 = vector.broadcast %broadcast_in_dim3A_733 : vector<256x1xi32> to vector<256x2048xi32>
    %eq3A_735 = arith.cmpi eq, %iota3A, %eq3A_734 : vector<256x2048xi32>
    %get3A_736 = arith.constant 0 : index
    %get3A_737 = arith.constant 0 : index
    %get3A_738 = vector.load %arg6[%get3A_736, %get3A_737] : memref<1x2048xf32, #tpu.memory_space<vmem>>, vector<1x2048xf32>
    %jit3A_739 = arith.constant 0.000000e+00 : f32
    %broadcast_in_dim3A_740 = vector.shape_cast %get3A_738 : vector<1x2048xf32> to vector<1x2048xf32>
    %broadcast_in_dim3A_741 = vector.broadcast %broadcast_in_dim3A_740 : vector<1x2048xf32> to vector<256x2048xf32>
    %broadcast_in_dim3A_742 = vector.broadcast %jit3A_739 : f32 to vector<256x2048xf32>
    %select_n3A_743 = arith.select %eq3A_735, %broadcast_in_dim3A_741, %broadcast_in_dim3A_742 : vector<256x2048xi1>, vector<256x2048xf32>
    %reduce_sum3A_744 = arith.constant dense<0.000000e+00> : vector<256xf32>
    %reduce_sum3A_745 = vector.multi_reduction <add>, %select_n3A_743, %reduce_sum3A_744 [1] : vector<256x2048xf32> to vector<256xf32>
    %broadcast_in_dim3A_746 = vector.shape_cast %reduce_sum3A_745 : vector<256xf32> to vector<256x1xf32>
    %eq3A_747 = vector.broadcast %add3A_724 : vector<256x1xi32> to vector<256x2048xi32>
    %eq3A_748 = vector.broadcast %add3A_13 : vector<1x2048xi32> to vector<256x2048xi32>
    %eq3A_749 = arith.cmpi eq, %eq3A_747, %eq3A_748 : vector<256x2048xi32>
    %jit3A_750 = arith.constant -1 : i32
    %broadcast_in_dim3A_751 = vector.broadcast %jit3A_750 : i32 to vector<256x2048xi32>
    %select_n3A_752 = arith.select %eq3A_749, %iota3A, %broadcast_in_dim3A_751 : vector<256x2048xi1>, vector<256x2048xi32>
    %reduce_max3A_753 = arith.constant dense<-2147483648> : vector<256xi32>
    %reduce_max3A_754 = vector.multi_reduction <maxsi>, %select_n3A_752, %reduce_max3A_753 [1] : vector<256x2048xi32> to vector<256xi32>
    %broadcast_in_dim3A_755 = vector.shape_cast %reduce_max3A_754 : vector<256xi32> to vector<256x1xi32>
    %iota3A_756 = tpu.iota {dimensions = array<i32: 0>} : vector<256x1xi32>
    %add3A_757 = arith.constant 1792 : i32
    %add3A_758 = vector.broadcast %add3A_757 : i32 to vector<256x1xi32>
    %add3A_759 = arith.addi %add3A_758, %iota3A_756 : vector<256x1xi32>
    %eq3A_760 = arith.cmpi eq, %broadcast_in_dim3A_755, %add3A_759 : vector<256x1xi32>
    %get3A_761 = arith.constant 1792 : index
    %get3A_762 = arith.constant 0 : index
    %get3A_763 = vector.load %arg7[%get3A_761, %get3A_762] : memref<2048x1xf32, #tpu.memory_space<vmem>>, vector<256x1xf32>
    %abs3A_764 = math.absf %get3A_763 : vector<256x1xf32>
    %neg3A_765 = arith.constant 0.000000e+00 : f32
    %neg3A_766 = vector.broadcast %neg3A_765 : f32 to vector<256x1xf32>
    %neg3A_767 = arith.subf %neg3A_766, %abs3A_764 : vector<256x1xf32>
    %exp3A_768 = math.exp %neg3A_767 : vector<256x1xf32>
    %max3A_769 = arith.constant 0.000000e+00 : f32
    %max3A_770 = vector.broadcast %max3A_769 : f32 to vector<256x1xf32>
    %max3A_771 = arith.maximumf %get3A_763, %max3A_770 : vector<256x1xf32>
    %add3A_772 = arith.constant 1.000000e+00 : f32
    %add3A_773 = vector.broadcast %add3A_772 : f32 to vector<256x1xf32>
    %add3A_774 = arith.addf %add3A_773, %exp3A_768 : vector<256x1xf32>
    %log3A_775 = math.log %add3A_774 : vector<256x1xf32>
    %add3A_776 = arith.addf %max3A_771, %log3A_775 : vector<256x1xf32>
    %ge3A_777 = arith.constant 0.000000e+00 : f32
    %ge3A_778 = vector.broadcast %ge3A_777 : f32 to vector<256x1xf32>
    %ge3A_779 = arith.cmpf oge, %get3A_763, %ge3A_778 : vector<256x1xf32>
    %add3A_780 = arith.constant 1.000000e+00 : f32
    %add3A_781 = vector.broadcast %add3A_780 : f32 to vector<256x1xf32>
    %add3A_782 = arith.addf %add3A_781, %exp3A_768 : vector<256x1xf32>
    %div3A_783 = arith.constant 1.000000e+00 : f32
    %div3A_784 = vector.broadcast %div3A_783 : f32 to vector<256x1xf32>
    %div3A_785 = arith.divf %div3A_784, %add3A_782 : vector<256x1xf32>
    %add3A_786 = arith.constant 1.000000e+00 : f32
    %add3A_787 = vector.broadcast %add3A_786 : f32 to vector<256x1xf32>
    %add3A_788 = arith.addf %add3A_787, %exp3A_768 : vector<256x1xf32>
    %div3A_789 = arith.divf %exp3A_768, %add3A_788 : vector<256x1xf32>
    %select_n3A_790 = arith.select %ge3A_779, %div3A_785, %div3A_789 : vector<256x1xi1>, vector<256x1xf32>
    %sub3A_791 = arith.subf %select_n3A_790, %broadcast_in_dim3A_746 : vector<256x1xf32>
    %mul3A_792 = arith.mulf %get3A_763, %broadcast_in_dim3A_746 : vector<256x1xf32>
    %sub3A_793 = arith.subf %add3A_776, %mul3A_792 : vector<256x1xf32>
    %mul3A_794 = arith.mulf %sub3A_793, %sub3A_791 : vector<256x1xf32>
    %mul3A_795 = arith.mulf %mul3A_794, %sub3A_791 : vector<256x1xf32>
    %mul3A_796 = arith.mulf %add3A_776, %select_n3A_790 : vector<256x1xf32>
    %mul3A_797 = arith.mulf %mul3A_796, %select_n3A_790 : vector<256x1xf32>
    %sub3A_798 = arith.subf %mul3A_795, %mul3A_797 : vector<256x1xf32>
    %jit3A_799 = arith.constant 0.000000e+00 : f32
    %broadcast_in_dim3A_800 = vector.broadcast %jit3A_799 : f32 to vector<256x1xf32>
    %select_n3A_801 = arith.select %eq3A_760, %sub3A_798, %broadcast_in_dim3A_800 : vector<256x1xi1>, vector<256x1xf32>
    %reduce_sum3A_802 = vector.shape_cast %select_n3A_801 : vector<256x1xf32> to vector<1x256x1xf32>
    %reduce_sum3A_803 = arith.constant dense<0.000000e+00> : vector<1xf32>
    %reduce_sum3A_804 = vector.multi_reduction <add>, %reduce_sum3A_802, %reduce_sum3A_803 [1, 2] : vector<1x256x1xf32> to vector<1xf32>
    %reduce_sum3A_805 = vector.shape_cast %reduce_sum3A_804 : vector<1xf32> to vector<1x1x1xf32>
    %reduce_sum3A_806 = vector.extract %reduce_sum3A_805[0, 0, 0] : f32 from vector<1x1x1xf32>
    %reshape3A_807 = vector.broadcast %reduce_sum3A_806 : f32 to vector<1x1xf32>
    %add3A_808 = arith.addf %add3A_707, %reshape3A_807 : vector<1x1xf32>
    %get3A_809 = arith.constant 0 : index
    %get3A_810 = arith.constant 0 : index
    %get3A_811 = vector.load %arg9[%get3A_809, %get3A_810] : memref<1x1xf32, #tpu.memory_space<vmem>>, vector<1x1xf32>
    %get3A_812 = vector.extract %get3A_811[0, 0] : f32 from vector<1x1xf32>
    %max3A_813 = arith.constant 1.000000e+00 : f32
    %max3A_814 = arith.maximumf %get3A_812, %max3A_813 : f32
    %get3A_815 = arith.constant 0 : index
    %get3A_816 = arith.constant 0 : index
    %get3A_817 = vector.load %arg10[%get3A_815, %get3A_816] : memref<1x4xf32, #tpu.memory_space<vmem>>, vector<1x1xf32>
    %get3A_818 = vector.extract %get3A_817[0, 0] : f32 from vector<1x1xf32>
    %get3A_819 = arith.constant 0 : index
    %get3A_820 = arith.constant 0 : index
    %get3A_821 = vector.load %arg8[%get3A_819, %get3A_820] : memref<1x1xf32, #tpu.memory_space<vmem>>, vector<1x1xf32>
    %get3A_822 = vector.extract %get3A_821[0, 0] : f32 from vector<1x1xf32>
    %squeeze3A = vector.extract %add3A_808[0, 0] : f32 from vector<1x1xf32>
    %add3A_823 = arith.addf %get3A_822, %squeeze3A : f32
    %div3A_824 = arith.divf %add3A_823, %max3A_814 : f32
    %get3A_825 = arith.constant 0 : index
    %get3A_826 = arith.constant 1 : index
    %get3A_827 = vector.load %arg10[%get3A_825, %get3A_826] : memref<1x4xf32, #tpu.memory_space<vmem>>, vector<1x1xf32>
    %get3A_828 = vector.extract %get3A_827[0, 0] : f32 from vector<1x1xf32>
    %div3A_829 = arith.divf %get3A_828, %get3A_818 : f32
    %get3A_830 = arith.constant 0 : index
    %get3A_831 = arith.constant 2 : index
    %get3A_832 = vector.load %arg10[%get3A_830, %get3A_831] : memref<1x4xf32, #tpu.memory_space<vmem>>, vector<1x1xf32>
    %get3A_833 = vector.extract %get3A_832[0, 0] : f32 from vector<1x1xf32>
    %div3A_834 = arith.constant 4.000000e+00 : f32
    %div3A_835 = arith.divf %get3A_833, %div3A_834 : f32
    %div3A_836 = arith.divf %div3A_835, %get3A_818 : f32
    %mul3A_837 = arith.constant 1.000000e+00 : f32
    %mul3A_838 = arith.mulf %mul3A_837, %div3A_824 : f32
    %mul3A_839 = arith.constant 2.500000e-01 : f32
    %mul3A_840 = arith.mulf %mul3A_839, %div3A_836 : f32
    %mul3A_841 = arith.constant 2.000000e+00 : f32
    %mul3A_842 = arith.mulf %mul3A_841, %div3A_829 : f32
    %add3A_843 = arith.addf %mul3A_838, %mul3A_840 : f32
    %add3A_844 = arith.addf %add3A_843, %mul3A_842 : f32
    %reshape3A_845 = vector.broadcast %add3A_844 : f32 to vector<1x1xf32>
    %reshape3A_846 = vector.broadcast %mul3A_838 : f32 to vector<1x1xf32>
    %reshape3A_847 = vector.broadcast %mul3A_840 : f32 to vector<1x1xf32>
    %reshape3A_848 = vector.broadcast %mul3A_842 : f32 to vector<1x1xf32>
    %concatenate3A = tpu.concatenate %reshape3A_845, %reshape3A_846, %reshape3A_847, %reshape3A_848 in 1 : vector<1x1xf32>, vector<1x1xf32>, vector<1x1xf32>, vector<1x1xf32> -> vector<1x4xf32>
    %swap3A = arith.constant 0 : index
    %swap3A_849 = arith.constant 0 : index
    %swap3A_850 = vector.load %arg11[%swap3A, %swap3A_849] : memref<1x4xf32, #tpu.memory_space<vmem>>, vector<1x4xf32>
    tpu.vector_store %arg11[%swap3A, %swap3A_849], %concatenate3A {strides = array<i32>} : memref<1x4xf32, #tpu.memory_space<vmem>>, vector<1x4xf32>,
    return
  }
}

</mosaic_0001>

<sc_bundles>
// kernel: kernel.6.cloned.1.call-start
scs
__scs_entry_jumppad:
0x0: {  	(pc) =	sbr.rel $0x88, $3  }
0x1: {  	(tag) =	ssettag $0x0;
	lr =	simm.s32 $0x1  }
0x2: {  	[smem:$0x3F99] =	sst lr;
	_ =	strace $0xD0000000  }
0x3: {  	_ = 	snop  }
0x4: {  	_ = 	snop  }
0x5: {  	_ = 	snop  }
0x6: {  	_ = 	snop  }
0x7: {  	_ = 	snop  }
__scs_overlays_trampoline_lowered:
0x8: {  	[smem:$0x3FA8] =	sst s0  }
0x9: {  	[smem:$0x3FA9] =	sst s1  }
0xa: {  	[smem:$0x3FAA] =	sst s2  }
0xb: {  	[smem:$0x3FAB] =	sst s3  }
0xc: {  	[smem:$0x3FAC] =	sst s4  }
0xd: {  	[smem:$0x3FAD] =	sst s5  }
0xe: {  	[smem:$0x3FAE] =	sst s6  }
0xf: {  	[smem:$0x3FAF] =	sst s7  }
0x10: {  	[smem:$0x3FB0] =	sst s8  }
0x11: {  	[smem:$0x3FB1] =	sst s9;
	s0 =	simm.s32 @!p0 $0x0  }
0x12: {  	s1 =	sld [smem:$0x3F97];
	s0 =	simm.s32 @p0 $0x1  }
0x13: {  	[smem:$0x3FB2] =	sst s0;
	s0 =	simm.s32 @!p1 $0x0  }
0x14: {  	s2 =	sld [smem:$0x3F96];
	s0 =	simm.s32 @p1 $0x1  }
0x15: {  	[smem:$0x3FB3] =	sst s0;
	s0 =	simm.s32 @!p2 $0x0  }
0x16: {  	s3 =	sld [smem:$0x3FDB];
	s0 =	simm.s32 @p2 $0x1  }
0x17: {  	s4 =	simm.s32 $0x1BF5;
	[smem:$0x3FB5] =	sst s0  }
0x18: {  	s0 =	sld [smem:$0x3F98];
	_ =	swait.ge [sflag:s4], $0x0  }
0x19: {  	s7 =	sld [smem:$0x3F99]  }
0x1a: {  	s8 =	sadd.s32 $0xFFFFE003, lr  }
0x1b: {  	s9 =	sadd.s32 $0xFFFFFEF7, lr;
	s5 =	simm.s32 $0xFFFFFFFF;
	p2 =	slt.u32 s8, $0xFFFFF086  }
0x1c: {  	p1 =	slt.u32 s9, $0xF7A;
	s5 =	simm.s32 @!p2 $0x0  }
0x1d: {  	s5 =	simm.s32 @p1 $0x1;
	p0 =	seq.s32 s7, s2  }
0x1e: {  	s7 =	smul.u32 @!p0 $0xF7A, s2;
	p2 =	seq.s32 @!p0 s5, $0x0  }
0x1f: {  	s9 =	smul.u32 $0xF7A, s1;
	s8 =	simm.s32 @!p0 $0x1BF5;
	p2 =	por !p2, p0  }
0x20: {  	[sflag:s8] =	ssyncset.s32 @!p0 $0xFFFFF086;
	s6 =	sadd.s32 @!p0 s3, s7;
	s7 =	simm.s32 @!p0 $0x108  }
0x21: {  	s3 =	sadd.s32 s3, s9;
	s6 =	sadd.s32 @!p0 $0x88, s6;
	s7 =	simm.s32 @p2 $0x1082  }
0x22: {  	[simem:s7], [sflag:s8] =	dma.local @!p0 [hbm:s6], $0xF7A  }
0x23: {  	s9 =	sor.u32 $0xD0000000, s2;
	s6 =	simm.s32 $0x108;
	_ =	swait.ge @!p0 [sflag:s8], $0x0  }
0x24: {  	s3 =	sadd.s32 $0x88, s3;
	s6 =	simm.s32 @!p1 $0x1082;
	[sflag:s4] =	ssyncset.s32 $0xFFFFF086  }
0x25: {  	[simem:s6], [sflag:s4] =	dma.local [hbm:s3], $0xF7A  }
0x26: {  	[smem:$0x3F99] =	sst s1;
	(tag) =	ssettag s2;
	_ =	strace s9  }
0x27: {  	s1 =	sld [smem:$0x3FA9]  }
0x28: {  	s2 =	sld [smem:$0x3FAA]  }
0x29: {  	s4 =	sld [smem:$0x3FAC]  }
0x2a: {  	p0 =	seq.s32 s5, $0x0;
	s5 =	sld [smem:$0x3FAD]  }
0x2b: {  	s6 =	sld [smem:$0x3FAE]  }
0x2c: {  	s7 =	sld [smem:$0x3FAF]  }
0x2d: {  	s3 =	simm.s32 $0x108;
	s8 =	sld [smem:$0x3FB0]  }
0x2e: {  	s3 =	simm.s32 @!p0 $0x1082;
	s9 =	sld [smem:$0x3FB1]  }
0x2f: {  	lr =	sadd.s32 s0, s3;
	s0 =	sld [smem:$0x3FA8]  }
0x30: {  	s3 =	sld [smem:$0x3FAB]  }
0x31: {  	[smem:$0x3FB4] =	sst s10  }
0x32: {  	s10 =	sld [smem:$0x3FB2];
	_ =	sdelay $0x3  }
0x33: {  	p0 =	seq.s32 s10, $0x1;
	s10 =	sld [smem:$0x3FB4];
	_ =	sdelay $0x3  }
0x34: {  	[smem:$0x3FB4] =	sst s10  }
0x35: {  	s10 =	sld [smem:$0x3FB3];
	_ =	sdelay $0x3  }
0x36: {  	p1 =	seq.s32 s10, $0x1;
	s10 =	sld [smem:$0x3FB4];
	_ =	sdelay $0x3  }
0x37: {  	[smem:$0x3FB4] =	sst s10  }
0x38: {  	s10 =	sld [smem:$0x3FB5]  }
0x39: {  	_ = 	snop;
	(pc) =	sbr.ind lr, $3  }
0x3a: {  	_ = 	snop  }
0x3b: {  	_ = 	snop  }
0x3c: {  	p2 =	seq.s32 s10, $0x1;
	s10 =	sld [smem:$0x3FB4]  }
0x3d: {  	_ =	shalt  }
0x3e: {  	_ =	shalt  }
0x3f: {  	_ =	shalt  }
0x40: {  	_ =	shalt  }
0x41: {  	_ =	shalt  }
0x42: {  	_ =	shalt  }
0x43: {  	_ =	shalt  }
0x44: {  	_ =	shalt  }
0x45: {  	_ =	shalt  }
0x46: {  	_ =	shalt  }
0x47: {  	_ =	shalt  }
0x48: {  	_ =	shalt  }
0x49: {  	_ =	shalt  }
0x4a: {  	_ =	shalt  }
0x4b: {  	_ =	shalt  }
0x4c: {  	_ =	shalt  }
0x4d: {  	_ =	shalt  }
0x4e: {  	_ =	shalt  }
0x4f: {  	_ =	shalt  }
0x50: {  	_ =	shalt  }
0x51: {  	_ =	shalt  }
0x52: {  	_ =	shalt  }
0x53: {  	_ =	shalt  }
0x54: {  	_ =	shalt  }
0x55: {  	_ =	shalt  }
0x56: {  	_ =	shalt  }
0x57: {  	_ =	shalt  }
0x58: {  	_ =	shalt  }
0x59: {  	_ =	shalt  }
0x5a: {  	_ =	shalt  }
0x5b: {  	_ =	shalt  }
0x5c: {  	_ =	shalt  }
0x5d: {  	_ =	shalt  }
0x5e: {  	_ =	shalt  }
0x5f: {  	_ =	shalt  }
0x60: {  	_ =	shalt  }
0x61: {  	_ =	shalt  }
0x62: {  	_ =	shalt  }
0x63: {  	_ =	shalt  }
0x64: {  	_ =	shalt  }
0x65: {  	_ =	shalt  }
0x66: {  	_ =	shalt  }
0x67: {  	_ =	shalt  }
0x68: {  	_ =	shalt  }
0x69: {  	_ =	shalt  }
0x6a: {  	_ =	shalt  }
0x6b: {  	_ =	shalt  }
0x6c: {  	_ =	shalt  }
0x6d: {  	_ =	shalt  }
0x6e: {  	_ =	shalt  }
0x6f: {  	_ =	shalt  }
0x70: {  	_ =	shalt  }
0x71: {  	_ =	shalt  }
0x72: {  	_ =	shalt  }
0x73: {  	_ =	shalt  }
0x74: {  	_ =	shalt  }
0x75: {  	_ =	shalt  }
0x76: {  	_ =	shalt  }
0x77: {  	_ =	shalt  }
0x78: {  	_ =	shalt  }
0x79: {  	_ =	shalt  }
0x7a: {  	_ =	shalt  }
0x7b: {  	_ =	shalt  }
0x7c: {  	_ =	shalt  }
0x7d: {  	_ =	shalt  }
0x7e: {  	_ =	shalt  }
0x7f: {  	_ =	shalt  }
0x80: {  	_ =	shalt  }
0x81: {  	_ =	shalt  }
0x82: {  	_ =	shalt  }
0x83: {  	_ =	shalt  }
0x84: {  	_ =	shalt  }
0x85: {  	_ =	shalt  }
0x86: {  	_ =	shalt  }
0x87: {  	_ =	shalt  }
.Lfunc_end0:
.L_simem_size_0:
called_computation_lowered:
.L_overlay_start_0:
0x88: {  	s2 =	sld [smem:$0x3FD9]  }
0x89: {  	s3 =	sld [smem:$0x3FFE];
	_ =	sdelay $0x1  }
0x8a: {  	s1 =	srdreg.scid  }
0x8b: {  	s0 =	sand.u32 $0x1, s1  }
0x8c: {  	s17 =	sshll.u32 s0, $0xA;
	s2 =	sadd.s32 s3, s2  }
0x8d: {  	s2 =	sadd.s32 s2, s17  }
0x8e: {  	[smem:$0x3FC0] =	sst s2  }
0x8f: {  	_ = 	snop  }
0x90: {  	s2 =	sld [smem:$0x3FC9]  }
0x91: {  	s18 =	sld [smem:$0x3FC8]  }
0x92: {  	s4 =	sld [smem:$0x3FC7]  }
0x93: {  	s5 =	sld [smem:$0x3FC5]  }
0x94: {  	s6 =	sld [smem:$0x3FC4];
	(tm) =	ssettm $0x1  }
0x95: {  	s7 =	sld [smem:$0x3FFB];
	_ =	sdelay $0x3  }
0x96: {  	_ =	strace s7  }
0x97: {  	s7 =	sld [smem:$0x3FFC];
	_ =	sdelay $0x3  }
0x98: {  	_ =	strace s7  }
0x99: {  	s7 =	sld [smem:$0x3FFD];
	_ =	sdelay $0x3  }
0x9a: {  	_ =	strace s7  }
0x9b: {  	_ =	strace $0x8FFFFFFF  }
0x9c: {  	s19 =	sld [smem:$0x3FDB];
	_ =	sdelay $0x1  }
0x9d: {  	s8 =	simm.s32 $_scs_section_size  }
0x9e: {  	s9 =	simm.s32 $_size__tile_overlayer_lowered;
	s10 =	simm.s32 $_tile_overlayer_lowered  }
0x9f: {  	s22 =	simm.s32 $0x1BFF;
	s21 =	sshll.u32 s10, $0x1;
	s7 =	sadd.s32 s8, s19  }
0xa0: {  	s11 =	simm.s32 $0x0;
	s20 =	sshll.u32 s9, $0x1;
	s9 =	sadd.s32 s21, s7  }
0xa1: {  	[timem:s11], [sflag:s22] =	dma.local [hbm:s9], s20  }
0xa2: {  	_ =	swait.ge [sflag:s22], s20  }
0xa3: {  	s8 =	ssub.s32 $0x0, s20;
	[sflag:s22] =	ssyncset.done $0x0  }
0xa4: {  	[sflag:s22] =	ssyncadd.s32 s8;
	_ =	sdelay $0x1  }
0xa5: {  	s23 =	simm.s32 $0x1B8B  }
0xa6: {  	_ =	swait.ge [sflag:s23], $0x1  }
0xa7: {  	[sflag:s23] =	ssyncset.done $0x0  }
0xa8: {  	s25 =	simm.s32 $0x1B8E;
	s24 =	sld [smem:$0x3FFE];
	[sflag:s23] =	ssyncadd.s32 $0xFFFFFFFF  }
0xa9: {  	s26 =	simm.s32 $execute0_lowered;
	[smem:$0x3FD2] =	sst s25  }
0xaa: {  	s9 =	sshll.u32 s26, $0x1;
	_ =	strace $0x80000046;
	[dreg:$0x1] =	wrdreg $0xFFFFFFFF  }
0xab: {  	s28 =	simm.s32 $_size_execute0_lowered;
	s7 =	sadd.s32 s7, s9;
	[dreg:$0x0] =	wrdreg $0x0  }
0xac: {  	s9 =	sshll.u32 s28, $0x1;
	[dreg:$0x2] =	wrdreg s7  }
0xad: {  	[dreg:$0x3] =	wrdreg s9  }
0xae: {  	[dreg:$0x4] =	wrdreg $0xC0  }
0xaf: {  	_ =	task [dreg:s11], $0x5FFFF  }
0xb0: {  	[dreg:$0x1] =	wrdreg $0xFFFFFFFF  }
0xb1: {  	[dreg:$0x0] =	wrdreg $0x60  }
0xb2: {  	[dreg:$0x2] =	wrdreg s2  }
0xb3: {  	[dreg:$0x3] =	wrdreg s4  }
0xb4: {  	[dreg:$0x4] =	wrdreg s18  }
0xb5: {  	[dreg:$0x5] =	wrdreg s5  }
0xb6: {  	[dreg:$0x6] =	wrdreg s6  }
0xb7: {  	[dreg:$0x7] =	wrdreg s24  }
0xb8: {  	[dreg:$0x8] =	wrdreg $0x9  }
0xb9: {  	_ =	task.clear_ibuf [dreg:s11], $0x9FFFF;
	_ =	strace $0x90000046  }
0xba: {  	s29 =	simm.s32 $0x9;
	_ =	strace $0x80000048  }
0xbb: {  	_ =	swait.ge [sflag:s29], $0x1  }
0xbc: {  	[sflag:s29] =	ssyncadd.s32 $0xFFFFFFFF  }
0xbd: {  	_ =	strace $0x90000048  }
0xbe: {  	_ =	sfence  }
0xbf: {  	s30 =	sld [smem:$0x0];
	_ =	sdelay $0x2  }
0xc0: {  	s31 =	sshll.u32 s1, $0xD;
	s1 =	sshrl.u32 s1, $0x2  }
0xc1: {  	s3 =	sand.u32 $0x4000, s31;
	s1 =	sadd.s32 s1, s30  }
0xc2: {  	s0 =	sor.u32 s3, s0;
	s1 =	sshll.u32 s1, $0x11  }
0xc3: {  	s0 =	sor.u32 s1, s0  }
0xc4: {  	s0 =	sadd.s32 $0x8F2B, s0  }
0xc5: {  	[sflag:s0] =	ssyncadd.remote.s32 $0x1  }
0xc6: {  	_ =	sfence.sel $0xFFFF  }
0xc7: {  	[dreg:$0x0] =	wrdreg $0xFFFFFFFF;
	(pc) =	sbr.abs _section_cstart, $3  }
0xc8: {  	[dreg:$0x1] =	wrdreg $0xFFFFFFFF  }
0xc9: {  	_ =	task.clear_ibuf [dreg:s11], $0x2FFFF;
	_ =	strace $0x9FFFFFFF  }
0xca: {  	(tm) =	ssettm $0x7FFFFFFF  }
0xcb: {  	_ =	shalt  }
tec
execute0_lowered:
.L_overlay_start_1:
0x0: {  	(tag) =	ssettag $0x1  }
0x1: {  	s0 =	rddreg [dreg:$0x0]  }
0x2: {  	s1 =	rddreg [dreg:$0x1]  }
0x3: {  	s26 =	rddreg [dreg:$0x2]  }
0x4: {  	s4 =	rddreg [dreg:$0x3]  }
0x5: {  	s5 =	rddreg [dreg:$0x4]  }
0x6: {  	s6 =	rddreg [dreg:$0x5]  }
0x7: {  	s7 =	srdreg.scid;
	s28 =	stileid.u32;
	s3 =	simm.s32 $0x0  }
0x8: {  	s13 =	simm.s32 $0x5;
	s15 =	simm.s32 $0x1;
	s16 =	simm.s32 $0x2  }
0x9: {  	s17 =	simm.s32 $0x3;
	s18 =	simm.s32 $0x4;
	[dreg:$0x7] =	wrdreg s1  }
0xa: {  	s23 =	simm.s32 $0x0;
	[dreg:$0x8] =	wrdreg s26;
	s11 =	sand.u32 $0x1, s7  }
0xb: {  	s29 =	sshll.u32 s28, $0x1;
	[smem:$0x7FF] =	sst s3;
	s31 =	sshll.u32 s28, $0x4  }
0xc: {  	s7 =	sor.u32 s11, s29;
	_ =	strace $0x80000047;
	s9 =	ssub.s32 $0x2, s11  }
0xd: {  	s4 =	sadd.s32 s4, s31;
	s5 =	sadd.s32 s5, s31;
	s11 =	sshll.u32 s11, $0x6  }
0xe: {  	s8 =	sshll.u32 s7, $0xA;
	s7 =	sshll.u32 s7, $0xC;
	s30 =	sshrl.u32 s9, $0x1  }
0xf: {  	s8 =	sadd.s32 s8, s6;
	s10 =	sadd.s32 s7, s6;
	s12 =	ssub.s32 s9, s30  }
0x10: {  	s6 =	sadd.s32 $0x21800, s8;
	s7 =	sadd.s32 $0x29800, s8;
	s8 =	sadd.s32 $0x31800, s8  }
0x11: {  	s9 =	sadd.s32 $0x1800, s10;
	s10 =	smax.u32 s12, $0x1;
	s12 =	sor.u32 $0x100, s11  }
.LBB2_1:
0x12: {  	[tilespmem:s3], [sflag:$0x5] =	stream.linear.gather [hbm4b:s4+s3], $0x80, $0x38;
	[tilespmem:$0xE200] =	vst v63  }
0x13: {  	_ =	swait.ge [sflag:s13], $0x80  }
0x14: {  	[sflag:s13] =	ssyncset.done $0x0  }
0x15: {  	s1 =	simm.s32 $0x100;
	[sflag:s13] =	ssyncadd.s32 $0xFFFFFF80  }
0x16: {  	[tilespmem:s1], [sflag:$0x5] =	stream.linear.gather [hbm4b:s5+s3], $0x80, $0x38;
	[tilespmem:$0xE200] =	vst v63  }
0x17: {  	_ =	swait.ge [sflag:s13], $0x80  }
0x18: {  	[sflag:s13] =	ssyncset.done $0x0  }
0x19: {  	[sflag:s13] =	ssyncadd.s32 $0xFFFFFF80  }
0x1a: {  	v0 =	vld [tilespmem:s12+$0x0]  }
0x1b: {  	v1 =	vld [tilespmem:s11+$0x0];
	_ =	sdelay $0x3  }
0x1c: {  	(v2sf) =	vpush v0, $0x0  }
0x1d: {  	(v2sf) =	vpush v1, $0x0;
	_ =	sdelay $0xd  }
0x1e: {  	s26 =	rddreg [dreg:$0x8];
	s24 =	spop (v2sf)  }
0x1f: {  	s22 =	simm.s32 $0x2200;
	s25 =	smul.u32 $0xCCCD, s24;
	s29 =	spop (v2sf)  }
0x20: {  	s28 =	sshll.u32 s24, $0x7;
	s30 =	sshll.u32 s24, $0x3;
	s31 =	sshll.u32 s29, $0xC  }
0x21: {  	s28 =	sand.u32 $0x380, s28;
	s30 =	sand.u32 $0xFFFFFE00, s30;
	s25 =	sshra.s32 s25, $0x16  }
0x22: {  	s20 =	sshll.u32 s29, $0xF;
	s29 =	rddreg [dreg:$0x7];
	s19 =	sadd.s32 s31, s25  }
0x23: {  	s24 =	sadd.s32 s24, s31;
	s25 =	sshll.u32 s25, $0x7;
	s1 =	sshll.u32 s19, $0x7  }
0x24: {  	s24 =	sshll.u32 s24, $0x7;
	s25 =	sand.u32 $0x380, s25;
	s1 =	sand.u32 $0xFFFFFC00, s1  }
0x25: {  	s21 =	sadd.s32 s20, s30;
	s24 =	sand.u32 $0xFFFFFC00, s24;
	s1 =	sor.u32 s25, s1  }
0x26: {  	s31 =	simm.s32 $0x4200;
	s24 =	sor.u32 s28, s24;
	s1 =	sshrl.u32 s1, $0x3  }
0x27: {  	s28 =	simm.s32 $0x200;
	s24 =	sshrl.u32 s24, $0x3;
	s1 =	sadd.s32 s0, s1  }
0x28: {  	[tilespmem:s28], [sflag:$0x1] =	stream.linear.gather [hbm4b:s1+s3], $0x80, $0x38;
	[tilespmem:$0xE200] =	vst v63  }
0x29: {  	s25 =	sadd.s32 $0x1, s12;
	s28 =	sadd.s32 s0, s24;
	s1 =	sshrl.u32 s21, $0x3  }
0x2a: {  	[tilespmem:s22], [sflag:$0x2] =	stream.linear.gather [hbm4b:s28+s3], $0x80, $0x38;
	[tilespmem:$0xE200] =	vst v63  }
0x2b: {  	s24 =	sadd.s32 s29, s24;
	s29 =	simm.s32 $0x6200;
	s30 =	sadd.s32 s26, s1  }
0x2c: {  	[tilespmem:s31], [sflag:$0x3] =	stream.linear.gather [hbm4b:s24+s3], $0x80, $0x38;
	[tilespmem:$0xE200] =	vst v63  }
0x2d: {  	s26 =	simm.s32 $0x6400;
	s28 =	sadd.s32 $0x1, s11;
	s24 =	simm.s32 $0x200  }
.LBB2_2:
0x2e: {  	[tilespmem:s29], [sflag:$0x4] =	stream.linear.gather [hbm4b:s30+s3], $0x200, $0x38;
	[tilespmem:$0xE200] =	vst v63  }
0x2f: {  	v0 =	vld [tilespmem:s25+$0x0];
	_ =	sdelay $0x1  }
0x30: {  	v1 =	vld [tilespmem:s28+$0x0];
	_ =	sdelay $0x2  }
0x31: {  	(v2sf) =	vpush v0, $0x0;
	_ =	sdelay $0x1  }
0x32: {  	(v2sf) =	vpush v1, $0x0;
	_ =	sdelay $0xb  }
0x33: {  	p0 =	sne.s32 s24, $0x7E00;
	s1 =	smov.u32 s24;
	s24 =	sadd.s32 $0x200, s24  }
0x34: {  	s29 =	smov.u32 s26;
	s30 =	rddreg [dreg:$0x8];
	s31 =	spop (v2sf)  }
0x35: {  	s26 =	sadd.s32 $0x200, s26;
	s1 =	sshra.s32 s1, $0x2;
	s2 =	smul.u32 $0xCCCD, s31  }
0x36: {  	s25 =	sadd.s32 $0x1, s25;
	s28 =	sadd.s32 $0x1, s28;
	s20 =	spop (v2sf)  }
0x37: {  	s19 =	sshll.u32 s31, $0x3;
	s21 =	sshll.u32 s20, $0xC;
	s2 =	sshra.s32 s2, $0x16  }
0x38: {  	s14 =	sshll.u32 s31, $0x7;
	s19 =	sand.u32 $0xFFFFFE00, s19;
	s22 =	sadd.s32 s21, s2  }
0x39: {  	s20 =	sshll.u32 s20, $0xF;
	s2 =	sshll.u32 s2, $0x7;
	s22 =	sshll.u32 s22, $0x7  }
0x3a: {  	s21 =	sadd.s32 s31, s21;
	s2 =	sand.u32 $0x380, s2;
	s22 =	sand.u32 $0xFFFFFC00, s22  }
0x3b: {  	s14 =	sand.u32 $0x380, s14;
	s21 =	sshll.u32 s21, $0x7;
	s2 =	sor.u32 s2, s22  }
0x3c: {  	s19 =	sadd.s32 s20, s19;
	s21 =	sand.u32 $0xFFFFFC00, s21;
	s2 =	sshrl.u32 s2, $0x3  }
0x3d: {  	s14 =	sor.u32 s14, s21;
	s22 =	sadd.s32 $0x200, s1;
	s2 =	sadd.s32 s0, s2  }
0x3e: {  	[tilespmem:s22], [sflag:$0x1] =	stream.linear.gather [hbm4b:s2+s3], $0x80, $0x38;
	[tilespmem:$0xE200] =	vst v63  }
.Ltmp0:
0x3f: {  	s20 =	sadd.s32 $0x2200, s1;
	s14 =	sshrl.u32 s14, $0x3;
	(pc) =	sbr.rel @p0 .LBB2_2-.Ltmp0, $4  }
0x40: {  	s19 =	sshrl.u32 s19, $0x3;
	s31 =	rddreg [dreg:$0x7];
	s22 =	sadd.s32 s0, s14  }
0x41: {  	[tilespmem:s20], [sflag:$0x2] =	stream.linear.gather [hbm4b:s22+s3], $0x80, $0x38;
	[tilespmem:$0xE200] =	vst v63  }
0x42: {  	s30 =	sadd.s32 s30, s19;
	s1 =	sadd.s32 $0x4200, s1;
	s31 =	sadd.s32 s31, s14  }
0x43: {  	[tilespmem:s1], [sflag:$0x3] =	stream.linear.gather [hbm4b:s31+s3], $0x80, $0x38;
	[tilespmem:$0xE200] =	vst v63  }
0x44: {  	[tilespmem:s29], [sflag:$0x4] =	stream.linear.gather [hbm4b:s30+s3], $0x200, $0x38;
	[tilespmem:$0xE200] =	vst v63  }
0x45: {  	_ =	swait.ge [sflag:s15], $0x2000  }
0x46: {  	[sflag:s15] =	ssyncset.done $0x0  }
0x47: {  	[sflag:s15] =	ssyncadd.s32 $0xFFFFE000  }
0x48: {  	_ =	swait.ge [sflag:s16], $0x2000  }
0x49: {  	[sflag:s16] =	ssyncset.done $0x0  }
0x4a: {  	[sflag:s16] =	ssyncadd.s32 $0xFFFFE000  }
0x4b: {  	_ =	swait.ge [sflag:s17], $0x2000  }
0x4c: {  	[sflag:s17] =	ssyncset.done $0x0  }
0x4d: {  	[sflag:s17] =	ssyncadd.s32 $0xFFFFE000  }
0x4e: {  	_ =	swait.ge [sflag:s18], $0x8000  }
0x4f: {  	[sflag:s18] =	ssyncset.done $0x0  }
0x50: {  	s1 =	simm.s32 $0x200;
	[sflag:s18] =	ssyncadd.s32 $0xFFFF8000  }
0x51: {  	[hbm4b:s6+s3] =	stream.linear.scatter [tilespmem:s1], [sflag:$0x5], $0x2000, $0x38;
	[tilespmem:$0xE200] =	vst v63  }
0x52: {  	_ =	swait.ge [sflag:s13], $0x2000  }
0x53: {  	[sflag:s13] =	ssyncset.done $0x0  }
0x54: {  	s29 =	simm.s32 $0x2200;
	[sflag:s13] =	ssyncadd.s32 $0xFFFFE000  }
0x55: {  	[hbm4b:s7+s3] =	stream.linear.scatter [tilespmem:s29], [sflag:$0x5], $0x2000, $0x38;
	[tilespmem:$0xE200] =	vst v63  }
0x56: {  	_ =	swait.ge [sflag:s13], $0x2000  }
0x57: {  	[sflag:s13] =	ssyncset.done $0x0  }
0x58: {  	s30 =	simm.s32 $0x4200;
	[sflag:s13] =	ssyncadd.s32 $0xFFFFE000  }
0x59: {  	[hbm4b:s8+s3] =	stream.linear.scatter [tilespmem:s30], [sflag:$0x5], $0x2000, $0x38;
	[tilespmem:$0xE200] =	vst v63  }
0x5a: {  	s23 =	sadd.s32 $0x1, s23;
	_ =	swait.ge [sflag:s13], $0x2000  }
0x5b: {  	p0 =	sne.s32 s23, s10;
	[sflag:s13] =	ssyncset.done $0x0  }
.Ltmp1:
0x5c: {  	s31 =	simm.s32 $0x6200;
	[sflag:s13] =	ssyncadd.s32 $0xFFFFE000;
	(pc) =	sbr.rel @p0 .LBB2_1-.Ltmp1, $4  }
0x5d: {  	[hbm4b:s9+s3] =	stream.linear.scatter [tilespmem:s31], [sflag:$0x5], $0x8000, $0x38;
	[tilespmem:$0xE200] =	vst v63  }
0x5e: {  	_ =	swait.ge [sflag:s13], $0x8000  }
0x5f: {  	[sflag:s13] =	ssyncset.done $0x0  }
0x60: {  	[sflag:s13] =	ssyncadd.s32 $0xFFFF8000  }
0x61: {  	_ =	sfence.sel $0x180000  }
0x62: {  	[bflag:$0x0] =	sbarrier.arrive $0xFFFF  }
0x63: {  	_ =	strace $0x90000047  }
0x64: {  	s0 =	stileid.u32;
	[bflag:$0x2] =	sbarrier.arrive $0xFFFF  }
0x65: {  	p0 =	sne.s32 s0, $0x0;
	s0 =	rddreg [dreg:$0x6]  }
0x66: {  	s0 =	sadd.s32 @!p0 $0x100000, s0  }
0x67: {  	[sflag:s0] =	ssyncadd.tile.s32 @!p0 $0x1;
	_ =	shalt  }
.Lfunc_end2:
_tile_overlayer_lowered:
.L_overlay_start_2:
0x68: {  	(tag) =	ssettag $0x2  }
0x69: {  	s0 =	rddreg [dreg:$0x0];
	s2 =	stileid.u32  }
0x6a: {  	s1 =	rddreg [dreg:$0x1];
	p0 =	sne.s32 s2, $0x0  }
0x6b: {  	s3 =	rddreg [dreg:$0x2];
	[bflag:$0x3] =	sbarrier.arrive $0xFFFF;
	s2 =	simm.s32 @!p0 $0x1C05  }
0x6c: {  	[timem:s3], [sflag:s2] =	dma.local @!p0 [hbm:s0], s1  }
0x6d: {  	s0 =	simm.s32 @!p0 $0x5  }
0x6e: {  	_ =	swait.ge @!p0 [sflag:s0], s1  }
0x6f: {  	s1 =	ssub.s32 @!p0 $0x0, s1;
	[sflag:s0] =	ssyncset.done @!p0 $0x0  }
0x70: {  	[sflag:s0] =	ssyncadd.s32 @!p0 s1  }
0x71: {  	[bflag:$0x3] =	sbarrier.arrive $0xFFFF  }
0x72: {  	_ =	shalt  }

</sc_bundles>
